<compile_context>
chip_gen: v7x
topology: tpu7x:2x2x1
jax: 0.10.2.dev20260603
libtpu: 0.0.44.dev20260713+nightly
codegen_flags: <defaults>
</compile_context>

<pallas_src>
import functools

import jax
import jax.numpy as jnp
from jax import lax
from jax.experimental import pallas as pl
from jax.experimental.pallas import tpu as pltpu
from jax.experimental.pallas import tpu_sc as plsc

EMBED = 64
CHUNK = 128
NSET = 4
CSPLIT = 56
DSPLIT = CHUNK - CSPLIT


@functools.lru_cache(maxsize=None)
def _build(nw, nc, chunks_per_w):
    n = nw * chunks_per_w * CHUNK
    nbody = chunks_per_w // NSET
    mesh = plsc.VectorSubcoreMesh(core_axis_name="c", subcore_axis_name="s")

    @functools.partial(
        pl.kernel,
        mesh=mesh,
        compiler_params=pltpu.CompilerParams(use_tc_tiling_on_sc=False),
        out_type=jax.ShapeDtypeStruct((n, 2 * EMBED), jnp.float32),
        scratch_types=[
            pltpu.VMEM((chunks_per_w, CHUNK), jnp.int32),
            pltpu.VMEM((chunks_per_w, CHUNK), jnp.int32),
            pltpu.VMEM((NSET, CHUNK, EMBED), jnp.float32),
            pltpu.VMEM((NSET, CHUNK, EMBED), jnp.float32),
            pltpu.VMEM_SHARED((16, 2, 2, CSPLIT, EMBED), jnp.float32),
            pltpu.SemaphoreType.DMA,
            pltpu.SemaphoreType.DMA,
            pltpu.SemaphoreType.DMA,
            pltpu.SemaphoreType.DMA,
            pltpu.SemaphoreType.DMA,
            pltpu.SemaphoreType.DMA,
            pltpu.SemaphoreType.DMA,
            pltpu.SemaphoreType.DMA,
        ],
    )
    def emb(idx_c, idx_s, w_char, w_syl, out, idxc_v, idxs_v, bufc, bufs,
            slots, gsem, xsem, c0, c1, w0, w1, w2, w3):
        wsems = (w0, w1, w2, w3)
        csems = (c0, c1)
        sid = lax.axis_index("s")
        wid = lax.axis_index("s") * nc + lax.axis_index("c")
        chunk0 = wid * chunks_per_w
        pltpu.sync_copy(idx_c.at[pl.ds(chunk0, chunks_per_w)], idxc_v)
        pltpu.sync_copy(idx_s.at[pl.ds(chunk0, chunks_per_w)], idxs_v)

        def drain_direct(s):
            pltpu.make_async_copy(
                bufc.at[s, pl.ds(0, DSPLIT)],
                out.at[pl.ds(0, DSPLIT), pl.ds(0, EMBED)], wsems[s]).wait()
            pltpu.make_async_copy(
                bufs.at[s, pl.ds(0, DSPLIT)],
                out.at[pl.ds(0, DSPLIT), pl.ds(EMBED, EMBED)],
                wsems[s]).wait()

        def drain_spmem(p):
            pltpu.make_async_copy(
                slots.at[sid, p, 0],
                out.at[pl.ds(0, CSPLIT), pl.ds(0, EMBED)], csems[p]).wait()
            pltpu.make_async_copy(
                slots.at[sid, p, 1],
                out.at[pl.ds(0, CSPLIT), pl.ds(EMBED, EMBED)],
                csems[p]).wait()

        def body(j, carry):
            gcps = []
            for s in range(NSET):
                @pl.when(j > 0)
                def _drain(s=s):
                    drain_direct(s)
                jc = j * NSET + s
                gcps.append(pltpu.async_copy(
                    w_char.at[idxc_v.at[jc]], bufc.at[s], gsem))
                gcps.append(pltpu.async_copy(
                    w_syl.at[idxs_v.at[jc]], bufs.at[s], gsem))
            for s in range(NSET):
                p = s % 2
                gcps[2 * s].wait()
                gcps[2 * s + 1].wait()
                row = (chunk0 + j * NSET + s) * CHUNK
                pltpu.async_copy(
                    bufc.at[s, pl.ds(0, DSPLIT)],
                    out.at[pl.ds(row, DSPLIT), pl.ds(0, EMBED)], wsems[s])
                pltpu.async_copy(
                    bufs.at[s, pl.ds(0, DSPLIT)],
                    out.at[pl.ds(row, DSPLIT), pl.ds(EMBED, EMBED)],
                    wsems[s])
                @pl.when(jnp.logical_or(j > 0, s >= 2))
                def _dc(p=p):
                    drain_spmem(p)
                xc = pltpu.async_copy(
                    bufc.at[s, pl.ds(DSPLIT, CSPLIT)], slots.at[sid, p, 0],
                    xsem)
                xs = pltpu.async_copy(
                    bufs.at[s, pl.ds(DSPLIT, CSPLIT)], slots.at[sid, p, 1],
                    xsem)
                xc.wait()
                xs.wait()
                pltpu.async_copy(
                    slots.at[sid, p, 0],
                    out.at[pl.ds(row + DSPLIT, CSPLIT), pl.ds(0, EMBED)],
                    csems[p])
                pltpu.async_copy(
                    slots.at[sid, p, 1],
                    out.at[pl.ds(row + DSPLIT, CSPLIT), pl.ds(EMBED, EMBED)],
                    csems[p])
            return carry

        lax.fori_loop(0, nbody, body, 0)
        for s in range(NSET):
            drain_direct(s)
        drain_spmem(0)
        drain_spmem(1)

    return emb


def kernel(txt_input, syl_input, W_char, W_syl):
    b, s = txt_input.shape
    n = b * s
    info = plsc.get_sparse_core_info()
    nc, ns = info.num_cores, info.num_subcores
    nw = nc * ns
    chunks_per_w = n // (nw * CHUNK)
    idx_c = txt_input.astype(jnp.int32).reshape(n // CHUNK, CHUNK)
    idx_s = syl_input.astype(jnp.int32).reshape(n // CHUNK, CHUNK)
    emb = _build(nw, nc, chunks_per_w)
    out = emb(idx_c, idx_s, W_char, W_syl)
    return out.reshape(b, s, 2 * EMBED)

# --- scband reference (transcript-rebuilt; emitter-appended) ---
"""Pipeline reference for scband-s2c-embedding-1486058684673 (READ-ONLY COPY).

The authoritative reference and input builder live on the scoring server;
editing this copy changes nothing except your own understanding.
"""

import jax, jax.numpy as jnp
import numpy as np

CHAR_SIZE = 100000
SYL_SIZE = 100000
EMBED_SIZE = 64
BATCH = 4096
SEQ = 200


def setup_inputs(seed: int = 0) -> dict:
    key = jax.random.key(seed)
    k1, k2, k3, k4 = jax.random.split(key, 4)
    txt_input = jax.random.randint(k1, (BATCH, SEQ), 0, CHAR_SIZE, dtype=jnp.int64 if jax.config.jax_enable_x64 else jnp.int32)
    syl_input = jax.random.randint(k2, (BATCH, SEQ), 0, SYL_SIZE, dtype=jnp.int64 if jax.config.jax_enable_x64 else jnp.int32)
    W_char = jax.random.normal(k3, (CHAR_SIZE, EMBED_SIZE), dtype=jnp.float32)
    W_syl = jax.random.normal(k4, (SYL_SIZE, EMBED_SIZE), dtype=jnp.float32)
    return {"txt_input": txt_input, "syl_input": syl_input, "W_char": W_char, "W_syl": W_syl}


def reference(txt_input, syl_input, W_char, W_syl):
    # embedding lookups (gather rows)
    txt_emb = jnp.take(W_char, txt_input, axis=0)   # [B, S, E]
    syl_emb = jnp.take(W_syl, syl_input, axis=0)    # [B, S, E]
    # concat along last dim
    x = jnp.concatenate((txt_emb, syl_emb), axis=-1)  # [B, S, 2E]
    # dropout is identity in eval mode; omitted for determinism
    return x

if __name__ == "__main__":
    import jax
    _d = setup_inputs()
    print(jax.jit(kernel)(*tuple(_d.values())))

</pallas_src>

<mosaic_0001>
#map = affine_map<(d0, d1) -> (0, 0)>
module attributes {stable_mosaic.version = 14 : i64} {
  func.func @emb(%arg0: i32, %arg1: i32, %arg2: memref<6400x128xi32, #tpu.memory_space<hbm>>, %arg3: memref<6400x128xi32, #tpu.memory_space<hbm>>, %arg4: memref<100000x64xf32, #tpu.memory_space<hbm>>, %arg5: memref<100000x64xf32, #tpu.memory_space<hbm>>, %arg6: memref<819200x128xf32, #tpu.memory_space<hbm>>, %arg7: memref<200x128xi32, #tpu.memory_space<vmem>>, %arg8: memref<200x128xi32, #tpu.memory_space<vmem>>, %arg9: memref<4x128x64xf32, #tpu.memory_space<vmem>>, %arg10: memref<4x128x64xf32, #tpu.memory_space<vmem>>, %arg11: memref<16x2x2x56x64xf32, #tpu.memory_space<vmem_shared>>, %arg12: memref<!tpu.dma_semaphore, #tpu.memory_space<semaphore_mem>>, %arg13: memref<!tpu.dma_semaphore, #tpu.memory_space<semaphore_mem>>, %arg14: memref<!tpu.dma_semaphore, #tpu.memory_space<semaphore_mem>>, %arg15: memref<!tpu.dma_semaphore, #tpu.memory_space<semaphore_mem>>, %arg16: memref<!tpu.dma_semaphore, #tpu.memory_space<semaphore_mem>>, %arg17: memref<!tpu.dma_semaphore, #tpu.memory_space<semaphore_mem>>, %arg18: memref<!tpu.dma_semaphore, #tpu.memory_space<semaphore_mem>>, %arg19: memref<!tpu.dma_semaphore, #tpu.memory_space<semaphore_mem>>) attributes {dimension_semantics = [#tpu.dimension_semantics<core_parallel>, #tpu.dimension_semantics<subcore_parallel>], iteration_bounds = array<i64: 2, 16>, scalar_prefetch = 0 : i64, scratch_operands = 13 : i64, tpu.core_type = #tpu.core_type<sc_vector_subcore>, window_params = [{transform_indices = #map}, {transform_indices = #map}, {transform_indices = #map}, {transform_indices = #map}, {transform_indices = #map}]} {
    %mul3A = arith.constant 2 : i32
    %mul3A_0 = arith.muli %arg1, %mul3A : i32
    %add3A = arith.addi %mul3A_0, %arg0 : i32
    %mul3A_1 = arith.constant 200 : i32
    %mul3A_2 = arith.muli %add3A, %mul3A_1 : i32
    "tpu.region"() ({
      %run_scoped3A = tpu.sem_alloc : memref<!tpu.dma_semaphore, #tpu.memory_space<semaphore_mem>>
      %dma_start3A = arith.constant 0 : i32
      %dma_start3A_163 = tpu.memref_slice %arg2[%mul3A_2, %dma_start3A] : memref<6400x128xi32, #tpu.memory_space<hbm>> -> memref<200x128xi32, #tpu.memory_space<hbm>>
      %dma_start3A_164 = arith.constant 0 : i32
      %dma_start3A_165 = tpu.memref_slice %arg2[%mul3A_2, %dma_start3A_164] : memref<6400x128xi32, #tpu.memory_space<hbm>> -> memref<200x128xi32, #tpu.memory_space<hbm>>
      tpu.enqueue_dma source(%dma_start3A_165 : memref<200x128xi32, #tpu.memory_space<hbm>>) target(%arg7 : memref<200x128xi32, #tpu.memory_space<vmem>>) target_semaphore(%run_scoped3A : memref<!tpu.dma_semaphore, #tpu.memory_space<semaphore_mem>>)
      %dma_wait3A_166 = arith.constant 0 : i32
      %dma_wait3A_167 = tpu.memref_slice %arg2[%mul3A_2, %dma_wait3A_166] : memref<6400x128xi32, #tpu.memory_space<hbm>> -> memref<200x128xi32, #tpu.memory_space<hbm>>
      %dma_wait3A_168 = arith.constant 0 : i32
      %dma_wait3A_169 = tpu.memref_slice %arg2[%mul3A_2, %dma_wait3A_168] : memref<6400x128xi32, #tpu.memory_space<hbm>> -> memref<200x128xi32, #tpu.memory_space<hbm>>
      tpu.wait_dma2 semaphore(%run_scoped3A : memref<!tpu.dma_semaphore, #tpu.memory_space<semaphore_mem>>) src(%dma_wait3A_169 : memref<200x128xi32, #tpu.memory_space<hbm>>) dst(%arg7 : memref<200x128xi32, #tpu.memory_space<vmem>>)
      tpu.yield
    }) : () -> ()
    "tpu.region"() ({
      %run_scoped3A = tpu.sem_alloc : memref<!tpu.dma_semaphore, #tpu.memory_space<semaphore_mem>>
      %dma_start3A = arith.constant 0 : i32
      %dma_start3A_163 = tpu.memref_slice %arg3[%mul3A_2, %dma_start3A] : memref<6400x128xi32, #tpu.memory_space<hbm>> -> memref<200x128xi32, #tpu.memory_space<hbm>>
      %dma_start3A_164 = arith.constant 0 : i32
      %dma_start3A_165 = tpu.memref_slice %arg3[%mul3A_2, %dma_start3A_164] : memref<6400x128xi32, #tpu.memory_space<hbm>> -> memref<200x128xi32, #tpu.memory_space<hbm>>
      tpu.enqueue_dma source(%dma_start3A_165 : memref<200x128xi32, #tpu.memory_space<hbm>>) target(%arg8 : memref<200x128xi32, #tpu.memory_space<vmem>>) target_semaphore(%run_scoped3A : memref<!tpu.dma_semaphore, #tpu.memory_space<semaphore_mem>>)
      %dma_wait3A_166 = arith.constant 0 : i32
      %dma_wait3A_167 = tpu.memref_slice %arg3[%mul3A_2, %dma_wait3A_166] : memref<6400x128xi32, #tpu.memory_space<hbm>> -> memref<200x128xi32, #tpu.memory_space<hbm>>
      %dma_wait3A_168 = arith.constant 0 : i32
      %dma_wait3A_169 = tpu.memref_slice %arg3[%mul3A_2, %dma_wait3A_168] : memref<6400x128xi32, #tpu.memory_space<hbm>> -> memref<200x128xi32, #tpu.memory_space<hbm>>
      tpu.wait_dma2 semaphore(%run_scoped3A : memref<!tpu.dma_semaphore, #tpu.memory_space<semaphore_mem>>) src(%dma_wait3A_169 : memref<200x128xi32, #tpu.memory_space<hbm>>) dst(%arg8 : memref<200x128xi32, #tpu.memory_space<vmem>>)
      tpu.yield
    }) : () -> ()
    %scan3A = arith.constant 0 : i32
    %scan3A_3 = arith.constant 0 : i32
    %scan3A_4 = arith.constant 50 : i32
    %scan3A_5 = arith.addi %scan3A_3, %scan3A_4 : i32
    %scan3A_6 = arith.constant 1 : i32
    scf.for %scan3A_163 = %scan3A_3 to %scan3A_5 step %scan3A_6  : i32 {
      %gt3A = arith.constant 0 : i32
      %gt3A_164 = arith.cmpi sgt, %scan3A_163, %gt3A : i32
      %convert_element_type3A = arith.extui %gt3A_164 : i1 to i32
      %cond3A = arith.constant 0 : i32
      %cond3A_165 = arith.cmpi ne, %convert_element_type3A, %cond3A : i32
      scf.if %cond3A_165 {
        %dma_wait3A_915 = arith.constant 0 : i32
        %dma_wait3A_916 = arith.constant 0 : i32
        %dma_wait3A_917 = arith.constant 0 : i32
        %dma_wait3A_918 = tpu.memref_slice %arg9[%dma_wait3A_915, %dma_wait3A_916, %dma_wait3A_917] : memref<4x128x64xf32, #tpu.memory_space<vmem>> -> memref<1x72x64xf32, #tpu.memory_space<vmem>>
        %dma_wait3A_919 = tpu.memref_squeeze %dma_wait3A_918 : memref<1x72x64xf32, #tpu.memory_space<vmem>> -> memref<72x64xf32, #tpu.memory_space<vmem>>
        %dma_wait3A_920 = arith.constant 0 : i32
        %dma_wait3A_921 = arith.constant 0 : i32
        %dma_wait3A_922 = tpu.memref_slice %arg6[%dma_wait3A_920, %dma_wait3A_921] : memref<819200x128xf32, #tpu.memory_space<hbm>> -> memref<72x64xf32, #tpu.memory_space<hbm>>
        %dma_wait3A_923 = arith.constant 0 : i32
        %dma_wait3A_924 = arith.constant 0 : i32
        %dma_wait3A_925 = tpu.memref_slice %arg6[%dma_wait3A_923, %dma_wait3A_924] : memref<819200x128xf32, #tpu.memory_space<hbm>> -> memref<72x64xf32, #tpu.memory_space<hbm>>
        %dma_wait3A_926 = arith.constant 0 : i32
        %dma_wait3A_927 = arith.constant 0 : i32
        %dma_wait3A_928 = tpu.memref_slice %arg9[%dma_wait3A_915, %dma_wait3A_926, %dma_wait3A_927] : memref<4x128x64xf32, #tpu.memory_space<vmem>> -> memref<1x72x64xf32, #tpu.memory_space<vmem>>
        %dma_wait3A_929 = tpu.memref_squeeze %dma_wait3A_928 : memref<1x72x64xf32, #tpu.memory_space<vmem>> -> memref<72x64xf32, #tpu.memory_space<vmem>>
        tpu.wait_dma2 semaphore(%arg16 : memref<!tpu.dma_semaphore, #tpu.memory_space<semaphore_mem>>) src(%dma_wait3A_929 : memref<72x64xf32, #tpu.memory_space<vmem>>) dst(%dma_wait3A_925 : memref<72x64xf32, #tpu.memory_space<hbm>>)
        %dma_wait3A_930 = arith.constant 0 : i32
        %dma_wait3A_931 = arith.constant 0 : i32
        %dma_wait3A_932 = arith.constant 0 : i32
        %dma_wait3A_933 = tpu.memref_slice %arg10[%dma_wait3A_930, %dma_wait3A_931, %dma_wait3A_932] : memref<4x128x64xf32, #tpu.memory_space<vmem>> -> memref<1x72x64xf32, #tpu.memory_space<vmem>>
        %dma_wait3A_934 = tpu.memref_squeeze %dma_wait3A_933 : memref<1x72x64xf32, #tpu.memory_space<vmem>> -> memref<72x64xf32, #tpu.memory_space<vmem>>
        %dma_wait3A_935 = arith.constant 0 : i32
        %dma_wait3A_936 = arith.constant 64 : i32
        %dma_wait3A_937 = tpu.memref_slice %arg6[%dma_wait3A_935, %dma_wait3A_936] : memref<819200x128xf32, #tpu.memory_space<hbm>> -> memref<72x64xf32, #tpu.memory_space<hbm>>
        %dma_wait3A_938 = arith.constant 0 : i32
        %dma_wait3A_939 = arith.constant 64 : i32
        %dma_wait3A_940 = tpu.memref_slice %arg6[%dma_wait3A_938, %dma_wait3A_939] : memref<819200x128xf32, #tpu.memory_space<hbm>> -> memref<72x64xf32, #tpu.memory_space<hbm>>
        %dma_wait3A_941 = arith.constant 0 : i32
        %dma_wait3A_942 = arith.constant 0 : i32
        %dma_wait3A_943 = tpu.memref_slice %arg10[%dma_wait3A_930, %dma_wait3A_941, %dma_wait3A_942] : memref<4x128x64xf32, #tpu.memory_space<vmem>> -> memref<1x72x64xf32, #tpu.memory_space<vmem>>
        %dma_wait3A_944 = tpu.memref_squeeze %dma_wait3A_943 : memref<1x72x64xf32, #tpu.memory_space<vmem>> -> memref<72x64xf32, #tpu.memory_space<vmem>>
        tpu.wait_dma2 semaphore(%arg16 : memref<!tpu.dma_semaphore, #tpu.memory_space<semaphore_mem>>) src(%dma_wait3A_944 : memref<72x64xf32, #tpu.memory_space<vmem>>) dst(%dma_wait3A_940 : memref<72x64xf32, #tpu.memory_space<hbm>>)
      } else {
      }
      %mul3A_166 = arith.constant 4 : i32
      %mul3A_167 = arith.muli %scan3A_163, %mul3A_166 : i32
      %add3A_168 = arith.constant 0 : i32
      %add3A_169 = arith.addi %mul3A_167, %add3A_168 : i32
      %dma_start3A = arith.constant 0 : i32
      %dma_start3A_170 = arith.constant 0 : i32
      %dma_start3A_171 = arith.constant 0 : i32
      %dma_start3A_172 = tpu.memref_slice %arg9[%dma_start3A, %dma_start3A_170, %dma_start3A_171] : memref<4x128x64xf32, #tpu.memory_space<vmem>> -> memref<1x128x64xf32, #tpu.memory_space<vmem>>
      %dma_start3A_173 = tpu.memref_squeeze %dma_start3A_172 : memref<1x128x64xf32, #tpu.memory_space<vmem>> -> memref<128x64xf32, #tpu.memory_space<vmem>>
      %dma_start3A_174 = arith.constant 0 : i32
      %dma_start3A_175 = tpu.memref_slice %arg7[%add3A_169, %dma_start3A_174] : memref<200x128xi32, #tpu.memory_space<vmem>> -> memref<1x128xi32, #tpu.memory_space<vmem>>
      %dma_start3A_176 = tpu.memref_squeeze %dma_start3A_175 : memref<1x128xi32, #tpu.memory_space<vmem>> -> memref<128xi32, #tpu.memory_space<vmem>>
      %dma_start3A_177 = arith.constant 0 : i32
      %dma_start3A_178 = arith.constant 0 : i32
      %dma_start3A_179 = tpu.memref_slice %arg4[%dma_start3A_177, %dma_start3A_178] : memref<100000x64xf32, #tpu.memory_space<hbm>> -> memref<100000x64xf32, #tpu.memory_space<hbm>>
      tpu.enqueue_indirect_dma source(%dma_start3A_179 : memref<100000x64xf32, #tpu.memory_space<hbm>>) target(%dma_start3A_173 : memref<128x64xf32, #tpu.memory_space<vmem>>) offsets(%dma_start3A_176 : memref<128xi32, #tpu.memory_space<vmem>>) semaphore(%arg12 : memref<!tpu.dma_semaphore, #tpu.memory_space<semaphore_mem>>)
      %dma_start3A_180 = arith.constant 0 : i32
      %dma_start3A_181 = arith.constant 0 : i32
      %dma_start3A_182 = arith.constant 0 : i32
      %dma_start3A_183 = tpu.memref_slice %arg10[%dma_start3A_180, %dma_start3A_181, %dma_start3A_182] : memref<4x128x64xf32, #tpu.memory_space<vmem>> -> memref<1x128x64xf32, #tpu.memory_space<vmem>>
      %dma_start3A_184 = tpu.memref_squeeze %dma_start3A_183 : memref<1x128x64xf32, #tpu.memory_space<vmem>> -> memref<128x64xf32, #tpu.memory_space<vmem>>
      %dma_start3A_185 = arith.constant 0 : i32
      %dma_start3A_186 = tpu.memref_slice %arg8[%add3A_169, %dma_start3A_185] : memref<200x128xi32, #tpu.memory_space<vmem>> -> memref<1x128xi32, #tpu.memory_space<vmem>>
      %dma_start3A_187 = tpu.memref_squeeze %dma_start3A_186 : memref<1x128xi32, #tpu.memory_space<vmem>> -> memref<128xi32, #tpu.memory_space<vmem>>
      %dma_start3A_188 = arith.constant 0 : i32
      %dma_start3A_189 = arith.constant 0 : i32
      %dma_start3A_190 = tpu.memref_slice %arg5[%dma_start3A_188, %dma_start3A_189] : memref<100000x64xf32, #tpu.memory_space<hbm>> -> memref<100000x64xf32, #tpu.memory_space<hbm>>
      tpu.enqueue_indirect_dma source(%dma_start3A_190 : memref<100000x64xf32, #tpu.memory_space<hbm>>) target(%dma_start3A_184 : memref<128x64xf32, #tpu.memory_space<vmem>>) offsets(%dma_start3A_187 : memref<128xi32, #tpu.memory_space<vmem>>) semaphore(%arg12 : memref<!tpu.dma_semaphore, #tpu.memory_space<semaphore_mem>>)
      %gt3A_191 = arith.constant 0 : i32
      %gt3A_192 = arith.cmpi sgt, %scan3A_163, %gt3A_191 : i32
      %convert_element_type3A_193 = arith.extui %gt3A_192 : i1 to i32
      %cond3A_194 = arith.constant 0 : i32
      %cond3A_195 = arith.cmpi ne, %convert_element_type3A_193, %cond3A_194 : i32
      scf.if %cond3A_195 {
        %dma_wait3A_915 = arith.constant 1 : i32
        %dma_wait3A_916 = arith.constant 0 : i32
        %dma_wait3A_917 = arith.constant 0 : i32
        %dma_wait3A_918 = tpu.memref_slice %arg9[%dma_wait3A_915, %dma_wait3A_916, %dma_wait3A_917] : memref<4x128x64xf32, #tpu.memory_space<vmem>> -> memref<1x72x64xf32, #tpu.memory_space<vmem>>
        %dma_wait3A_919 = tpu.memref_squeeze %dma_wait3A_918 : memref<1x72x64xf32, #tpu.memory_space<vmem>> -> memref<72x64xf32, #tpu.memory_space<vmem>>
        %dma_wait3A_920 = arith.constant 0 : i32
        %dma_wait3A_921 = arith.constant 0 : i32
        %dma_wait3A_922 = tpu.memref_slice %arg6[%dma_wait3A_920, %dma_wait3A_921] : memref<819200x128xf32, #tpu.memory_space<hbm>> -> memref<72x64xf32, #tpu.memory_space<hbm>>
        %dma_wait3A_923 = arith.constant 0 : i32
        %dma_wait3A_924 = arith.constant 0 : i32
        %dma_wait3A_925 = tpu.memref_slice %arg6[%dma_wait3A_923, %dma_wait3A_924] : memref<819200x128xf32, #tpu.memory_space<hbm>> -> memref<72x64xf32, #tpu.memory_space<hbm>>
        %dma_wait3A_926 = arith.constant 0 : i32
        %dma_wait3A_927 = arith.constant 0 : i32
        %dma_wait3A_928 = tpu.memref_slice %arg9[%dma_wait3A_915, %dma_wait3A_926, %dma_wait3A_927] : memref<4x128x64xf32, #tpu.memory_space<vmem>> -> memref<1x72x64xf32, #tpu.memory_space<vmem>>
        %dma_wait3A_929 = tpu.memref_squeeze %dma_wait3A_928 : memref<1x72x64xf32, #tpu.memory_space<vmem>> -> memref<72x64xf32, #tpu.memory_space<vmem>>
        tpu.wait_dma2 semaphore(%arg17 : memref<!tpu.dma_semaphore, #tpu.memory_space<semaphore_mem>>) src(%dma_wait3A_929 : memref<72x64xf32, #tpu.memory_space<vmem>>) dst(%dma_wait3A_925 : memref<72x64xf32, #tpu.memory_space<hbm>>)
        %dma_wait3A_930 = arith.constant 1 : i32
        %dma_wait3A_931 = arith.constant 0 : i32
        %dma_wait3A_932 = arith.constant 0 : i32
        %dma_wait3A_933 = tpu.memref_slice %arg10[%dma_wait3A_930, %dma_wait3A_931, %dma_wait3A_932] : memref<4x128x64xf32, #tpu.memory_space<vmem>> -> memref<1x72x64xf32, #tpu.memory_space<vmem>>
        %dma_wait3A_934 = tpu.memref_squeeze %dma_wait3A_933 : memref<1x72x64xf32, #tpu.memory_space<vmem>> -> memref<72x64xf32, #tpu.memory_space<vmem>>
        %dma_wait3A_935 = arith.constant 0 : i32
        %dma_wait3A_936 = arith.constant 64 : i32
        %dma_wait3A_937 = tpu.memref_slice %arg6[%dma_wait3A_935, %dma_wait3A_936] : memref<819200x128xf32, #tpu.memory_space<hbm>> -> memref<72x64xf32, #tpu.memory_space<hbm>>
        %dma_wait3A_938 = arith.constant 0 : i32
        %dma_wait3A_939 = arith.constant 64 : i32
        %dma_wait3A_940 = tpu.memref_slice %arg6[%dma_wait3A_938, %dma_wait3A_939] : memref<819200x128xf32, #tpu.memory_space<hbm>> -> memref<72x64xf32, #tpu.memory_space<hbm>>
        %dma_wait3A_941 = arith.constant 0 : i32
        %dma_wait3A_942 = arith.constant 0 : i32
        %dma_wait3A_943 = tpu.memref_slice %arg10[%dma_wait3A_930, %dma_wait3A_941, %dma_wait3A_942] : memref<4x128x64xf32, #tpu.memory_space<vmem>> -> memref<1x72x64xf32, #tpu.memory_space<vmem>>
        %dma_wait3A_944 = tpu.memref_squeeze %dma_wait3A_943 : memref<1x72x64xf32, #tpu.memory_space<vmem>> -> memref<72x64xf32, #tpu.memory_space<vmem>>
        tpu.wait_dma2 semaphore(%arg17 : memref<!tpu.dma_semaphore, #tpu.memory_space<semaphore_mem>>) src(%dma_wait3A_944 : memref<72x64xf32, #tpu.memory_space<vmem>>) dst(%dma_wait3A_940 : memref<72x64xf32, #tpu.memory_space<hbm>>)
      } else {
      }
      %mul3A_196 = arith.constant 4 : i32
      %mul3A_197 = arith.muli %scan3A_163, %mul3A_196 : i32
      %add3A_198 = arith.constant 1 : i32
      %add3A_199 = arith.addi %mul3A_197, %add3A_198 : i32
      %dma_start3A_200 = arith.constant 1 : i32
      %dma_start3A_201 = arith.constant 0 : i32
      %dma_start3A_202 = arith.constant 0 : i32
      %dma_start3A_203 = tpu.memref_slice %arg9[%dma_start3A_200, %dma_start3A_201, %dma_start3A_202] : memref<4x128x64xf32, #tpu.memory_space<vmem>> -> memref<1x128x64xf32, #tpu.memory_space<vmem>>
      %dma_start3A_204 = tpu.memref_squeeze %dma_start3A_203 : memref<1x128x64xf32, #tpu.memory_space<vmem>> -> memref<128x64xf32, #tpu.memory_space<vmem>>
      %dma_start3A_205 = arith.constant 0 : i32
      %dma_start3A_206 = tpu.memref_slice %arg7[%add3A_199, %dma_start3A_205] : memref<200x128xi32, #tpu.memory_space<vmem>> -> memref<1x128xi32, #tpu.memory_space<vmem>>
      %dma_start3A_207 = tpu.memref_squeeze %dma_start3A_206 : memref<1x128xi32, #tpu.memory_space<vmem>> -> memref<128xi32, #tpu.memory_space<vmem>>
      %dma_start3A_208 = arith.constant 0 : i32
      %dma_start3A_209 = arith.constant 0 : i32
      %dma_start3A_210 = tpu.memref_slice %arg4[%dma_start3A_208, %dma_start3A_209] : memref<100000x64xf32, #tpu.memory_space<hbm>> -> memref<100000x64xf32, #tpu.memory_space<hbm>>
      tpu.enqueue_indirect_dma source(%dma_start3A_210 : memref<100000x64xf32, #tpu.memory_space<hbm>>) target(%dma_start3A_204 : memref<128x64xf32, #tpu.memory_space<vmem>>) offsets(%dma_start3A_207 : memref<128xi32, #tpu.memory_space<vmem>>) semaphore(%arg12 : memref<!tpu.dma_semaphore, #tpu.memory_space<semaphore_mem>>)
      %dma_start3A_211 = arith.constant 1 : i32
      %dma_start3A_212 = arith.constant 0 : i32
      %dma_start3A_213 = arith.constant 0 : i32
      %dma_start3A_214 = tpu.memref_slice %arg10[%dma_start3A_211, %dma_start3A_212, %dma_start3A_213] : memref<4x128x64xf32, #tpu.memory_space<vmem>> -> memref<1x128x64xf32, #tpu.memory_space<vmem>>
      %dma_start3A_215 = tpu.memref_squeeze %dma_start3A_214 : memref<1x128x64xf32, #tpu.memory_space<vmem>> -> memref<128x64xf32, #tpu.memory_space<vmem>>
      %dma_start3A_216 = arith.constant 0 : i32
      %dma_start3A_217 = tpu.memref_slice %arg8[%add3A_199, %dma_start3A_216] : memref<200x128xi32, #tpu.memory_space<vmem>> -> memref<1x128xi32, #tpu.memory_space<vmem>>
      %dma_start3A_218 = tpu.memref_squeeze %dma_start3A_217 : memref<1x128xi32, #tpu.memory_space<vmem>> -> memref<128xi32, #tpu.memory_space<vmem>>
      %dma_start3A_219 = arith.constant 0 : i32
      %dma_start3A_220 = arith.constant 0 : i32
      %dma_start3A_221 = tpu.memref_slice %arg5[%dma_start3A_219, %dma_start3A_220] : memref<100000x64xf32, #tpu.memory_space<hbm>> -> memref<100000x64xf32, #tpu.memory_space<hbm>>
      tpu.enqueue_indirect_dma source(%dma_start3A_221 : memref<100000x64xf32, #tpu.memory_space<hbm>>) target(%dma_start3A_215 : memref<128x64xf32, #tpu.memory_space<vmem>>) offsets(%dma_start3A_218 : memref<128xi32, #tpu.memory_space<vmem>>) semaphore(%arg12 : memref<!tpu.dma_semaphore, #tpu.memory_space<semaphore_mem>>)
      %gt3A_222 = arith.constant 0 : i32
      %gt3A_223 = arith.cmpi sgt, %scan3A_163, %gt3A_222 : i32
      %convert_element_type3A_224 = arith.extui %gt3A_223 : i1 to i32
      %cond3A_225 = arith.constant 0 : i32
      %cond3A_226 = arith.cmpi ne, %convert_element_type3A_224, %cond3A_225 : i32
      scf.if %cond3A_226 {
        %dma_wait3A_915 = arith.constant 2 : i32
        %dma_wait3A_916 = arith.constant 0 : i32
        %dma_wait3A_917 = arith.constant 0 : i32
        %dma_wait3A_918 = tpu.memref_slice %arg9[%dma_wait3A_915, %dma_wait3A_916, %dma_wait3A_917] : memref<4x128x64xf32, #tpu.memory_space<vmem>> -> memref<1x72x64xf32, #tpu.memory_space<vmem>>
        %dma_wait3A_919 = tpu.memref_squeeze %dma_wait3A_918 : memref<1x72x64xf32, #tpu.memory_space<vmem>> -> memref<72x64xf32, #tpu.memory_space<vmem>>
        %dma_wait3A_920 = arith.constant 0 : i32
        %dma_wait3A_921 = arith.constant 0 : i32
        %dma_wait3A_922 = tpu.memref_slice %arg6[%dma_wait3A_920, %dma_wait3A_921] : memref<819200x128xf32, #tpu.memory_space<hbm>> -> memref<72x64xf32, #tpu.memory_space<hbm>>
        %dma_wait3A_923 = arith.constant 0 : i32
        %dma_wait3A_924 = arith.constant 0 : i32
        %dma_wait3A_925 = tpu.memref_slice %arg6[%dma_wait3A_923, %dma_wait3A_924] : memref<819200x128xf32, #tpu.memory_space<hbm>> -> memref<72x64xf32, #tpu.memory_space<hbm>>
        %dma_wait3A_926 = arith.constant 0 : i32
        %dma_wait3A_927 = arith.constant 0 : i32
        %dma_wait3A_928 = tpu.memref_slice %arg9[%dma_wait3A_915, %dma_wait3A_926, %dma_wait3A_927] : memref<4x128x64xf32, #tpu.memory_space<vmem>> -> memref<1x72x64xf32, #tpu.memory_space<vmem>>
        %dma_wait3A_929 = tpu.memref_squeeze %dma_wait3A_928 : memref<1x72x64xf32, #tpu.memory_space<vmem>> -> memref<72x64xf32, #tpu.memory_space<vmem>>
        tpu.wait_dma2 semaphore(%arg18 : memref<!tpu.dma_semaphore, #tpu.memory_space<semaphore_mem>>) src(%dma_wait3A_929 : memref<72x64xf32, #tpu.memory_space<vmem>>) dst(%dma_wait3A_925 : memref<72x64xf32, #tpu.memory_space<hbm>>)
        %dma_wait3A_930 = arith.constant 2 : i32
        %dma_wait3A_931 = arith.constant 0 : i32
        %dma_wait3A_932 = arith.constant 0 : i32
        %dma_wait3A_933 = tpu.memref_slice %arg10[%dma_wait3A_930, %dma_wait3A_931, %dma_wait3A_932] : memref<4x128x64xf32, #tpu.memory_space<vmem>> -> memref<1x72x64xf32, #tpu.memory_space<vmem>>
        %dma_wait3A_934 = tpu.memref_squeeze %dma_wait3A_933 : memref<1x72x64xf32, #tpu.memory_space<vmem>> -> memref<72x64xf32, #tpu.memory_space<vmem>>
        %dma_wait3A_935 = arith.constant 0 : i32
        %dma_wait3A_936 = arith.constant 64 : i32
        %dma_wait3A_937 = tpu.memref_slice %arg6[%dma_wait3A_935, %dma_wait3A_936] : memref<819200x128xf32, #tpu.memory_space<hbm>> -> memref<72x64xf32, #tpu.memory_space<hbm>>
        %dma_wait3A_938 = arith.constant 0 : i32
        %dma_wait3A_939 = arith.constant 64 : i32
        %dma_wait3A_940 = tpu.memref_slice %arg6[%dma_wait3A_938, %dma_wait3A_939] : memref<819200x128xf32, #tpu.memory_space<hbm>> -> memref<72x64xf32, #tpu.memory_space<hbm>>
        %dma_wait3A_941 = arith.constant 0 : i32
        %dma_wait3A_942 = arith.constant 0 : i32
        %dma_wait3A_943 = tpu.memref_slice %arg10[%dma_wait3A_930, %dma_wait3A_941, %dma_wait3A_942] : memref<4x128x64xf32, #tpu.memory_space<vmem>> -> memref<1x72x64xf32, #tpu.memory_space<vmem>>
        %dma_wait3A_944 = tpu.memref_squeeze %dma_wait3A_943 : memref<1x72x64xf32, #tpu.memory_space<vmem>> -> memref<72x64xf32, #tpu.memory_space<vmem>>
        tpu.wait_dma2 semaphore(%arg18 : memref<!tpu.dma_semaphore, #tpu.memory_space<semaphore_mem>>) src(%dma_wait3A_944 : memref<72x64xf32, #tpu.memory_space<vmem>>) dst(%dma_wait3A_940 : memref<72x64xf32, #tpu.memory_space<hbm>>)
      } else {
      }
      %mul3A_227 = arith.constant 4 : i32
      %mul3A_228 = arith.muli %scan3A_163, %mul3A_227 : i32
      %add3A_229 = arith.constant 2 : i32
      %add3A_230 = arith.addi %mul3A_228, %add3A_229 : i32
      %dma_start3A_231 = arith.constant 2 : i32
      %dma_start3A_232 = arith.constant 0 : i32
      %dma_start3A_233 = arith.constant 0 : i32
      %dma_start3A_234 = tpu.memref_slice %arg9[%dma_start3A_231, %dma_start3A_232, %dma_start3A_233] : memref<4x128x64xf32, #tpu.memory_space<vmem>> -> memref<1x128x64xf32, #tpu.memory_space<vmem>>
      %dma_start3A_235 = tpu.memref_squeeze %dma_start3A_234 : memref<1x128x64xf32, #tpu.memory_space<vmem>> -> memref<128x64xf32, #tpu.memory_space<vmem>>
      %dma_start3A_236 = arith.constant 0 : i32
      %dma_start3A_237 = tpu.memref_slice %arg7[%add3A_230, %dma_start3A_236] : memref<200x128xi32, #tpu.memory_space<vmem>> -> memref<1x128xi32, #tpu.memory_space<vmem>>
      %dma_start3A_238 = tpu.memref_squeeze %dma_start3A_237 : memref<1x128xi32, #tpu.memory_space<vmem>> -> memref<128xi32, #tpu.memory_space<vmem>>
      %dma_start3A_239 = arith.constant 0 : i32
      %dma_start3A_240 = arith.constant 0 : i32
      %dma_start3A_241 = tpu.memref_slice %arg4[%dma_start3A_239, %dma_start3A_240] : memref<100000x64xf32, #tpu.memory_space<hbm>> -> memref<100000x64xf32, #tpu.memory_space<hbm>>
      tpu.enqueue_indirect_dma source(%dma_start3A_241 : memref<100000x64xf32, #tpu.memory_space<hbm>>) target(%dma_start3A_235 : memref<128x64xf32, #tpu.memory_space<vmem>>) offsets(%dma_start3A_238 : memref<128xi32, #tpu.memory_space<vmem>>) semaphore(%arg12 : memref<!tpu.dma_semaphore, #tpu.memory_space<semaphore_mem>>)
      %dma_start3A_242 = arith.constant 2 : i32
      %dma_start3A_243 = arith.constant 0 : i32
      %dma_start3A_244 = arith.constant 0 : i32
      %dma_start3A_245 = tpu.memref_slice %arg10[%dma_start3A_242, %dma_start3A_243, %dma_start3A_244] : memref<4x128x64xf32, #tpu.memory_space<vmem>> -> memref<1x128x64xf32, #tpu.memory_space<vmem>>
      %dma_start3A_246 = tpu.memref_squeeze %dma_start3A_245 : memref<1x128x64xf32, #tpu.memory_space<vmem>> -> memref<128x64xf32, #tpu.memory_space<vmem>>
      %dma_start3A_247 = arith.constant 0 : i32
      %dma_start3A_248 = tpu.memref_slice %arg8[%add3A_230, %dma_start3A_247] : memref<200x128xi32, #tpu.memory_space<vmem>> -> memref<1x128xi32, #tpu.memory_space<vmem>>
      %dma_start3A_249 = tpu.memref_squeeze %dma_start3A_248 : memref<1x128xi32, #tpu.memory_space<vmem>> -> memref<128xi32, #tpu.memory_space<vmem>>
      %dma_start3A_250 = arith.constant 0 : i32
      %dma_start3A_251 = arith.constant 0 : i32
      %dma_start3A_252 = tpu.memref_slice %arg5[%dma_start3A_250, %dma_start3A_251] : memref<100000x64xf32, #tpu.memory_space<hbm>> -> memref<100000x64xf32, #tpu.memory_space<hbm>>
      tpu.enqueue_indirect_dma source(%dma_start3A_252 : memref<100000x64xf32, #tpu.memory_space<hbm>>) target(%dma_start3A_246 : memref<128x64xf32, #tpu.memory_space<vmem>>) offsets(%dma_start3A_249 : memref<128xi32, #tpu.memory_space<vmem>>) semaphore(%arg12 : memref<!tpu.dma_semaphore, #tpu.memory_space<semaphore_mem>>)
      %gt3A_253 = arith.constant 0 : i32
      %gt3A_254 = arith.cmpi sgt, %scan3A_163, %gt3A_253 : i32
      %convert_element_type3A_255 = arith.extui %gt3A_254 : i1 to i32
      %cond3A_256 = arith.constant 0 : i32
      %cond3A_257 = arith.cmpi ne, %convert_element_type3A_255, %cond3A_256 : i32
      scf.if %cond3A_257 {
        %dma_wait3A_915 = arith.constant 3 : i32
        %dma_wait3A_916 = arith.constant 0 : i32
        %dma_wait3A_917 = arith.constant 0 : i32
        %dma_wait3A_918 = tpu.memref_slice %arg9[%dma_wait3A_915, %dma_wait3A_916, %dma_wait3A_917] : memref<4x128x64xf32, #tpu.memory_space<vmem>> -> memref<1x72x64xf32, #tpu.memory_space<vmem>>
        %dma_wait3A_919 = tpu.memref_squeeze %dma_wait3A_918 : memref<1x72x64xf32, #tpu.memory_space<vmem>> -> memref<72x64xf32, #tpu.memory_space<vmem>>
        %dma_wait3A_920 = arith.constant 0 : i32
        %dma_wait3A_921 = arith.constant 0 : i32
        %dma_wait3A_922 = tpu.memref_slice %arg6[%dma_wait3A_920, %dma_wait3A_921] : memref<819200x128xf32, #tpu.memory_space<hbm>> -> memref<72x64xf32, #tpu.memory_space<hbm>>
        %dma_wait3A_923 = arith.constant 0 : i32
        %dma_wait3A_924 = arith.constant 0 : i32
        %dma_wait3A_925 = tpu.memref_slice %arg6[%dma_wait3A_923, %dma_wait3A_924] : memref<819200x128xf32, #tpu.memory_space<hbm>> -> memref<72x64xf32, #tpu.memory_space<hbm>>
        %dma_wait3A_926 = arith.constant 0 : i32
        %dma_wait3A_927 = arith.constant 0 : i32
        %dma_wait3A_928 = tpu.memref_slice %arg9[%dma_wait3A_915, %dma_wait3A_926, %dma_wait3A_927] : memref<4x128x64xf32, #tpu.memory_space<vmem>> -> memref<1x72x64xf32, #tpu.memory_space<vmem>>
        %dma_wait3A_929 = tpu.memref_squeeze %dma_wait3A_928 : memref<1x72x64xf32, #tpu.memory_space<vmem>> -> memref<72x64xf32, #tpu.memory_space<vmem>>
        tpu.wait_dma2 semaphore(%arg19 : memref<!tpu.dma_semaphore, #tpu.memory_space<semaphore_mem>>) src(%dma_wait3A_929 : memref<72x64xf32, #tpu.memory_space<vmem>>) dst(%dma_wait3A_925 : memref<72x64xf32, #tpu.memory_space<hbm>>)
        %dma_wait3A_930 = arith.constant 3 : i32
        %dma_wait3A_931 = arith.constant 0 : i32
        %dma_wait3A_932 = arith.constant 0 : i32
        %dma_wait3A_933 = tpu.memref_slice %arg10[%dma_wait3A_930, %dma_wait3A_931, %dma_wait3A_932] : memref<4x128x64xf32, #tpu.memory_space<vmem>> -> memref<1x72x64xf32, #tpu.memory_space<vmem>>
        %dma_wait3A_934 = tpu.memref_squeeze %dma_wait3A_933 : memref<1x72x64xf32, #tpu.memory_space<vmem>> -> memref<72x64xf32, #tpu.memory_space<vmem>>
        %dma_wait3A_935 = arith.constant 0 : i32
        %dma_wait3A_936 = arith.constant 64 : i32
        %dma_wait3A_937 = tpu.memref_slice %arg6[%dma_wait3A_935, %dma_wait3A_936] : memref<819200x128xf32, #tpu.memory_space<hbm>> -> memref<72x64xf32, #tpu.memory_space<hbm>>
        %dma_wait3A_938 = arith.constant 0 : i32
        %dma_wait3A_939 = arith.constant 64 : i32
        %dma_wait3A_940 = tpu.memref_slice %arg6[%dma_wait3A_938, %dma_wait3A_939] : memref<819200x128xf32, #tpu.memory_space<hbm>> -> memref<72x64xf32, #tpu.memory_space<hbm>>
        %dma_wait3A_941 = arith.constant 0 : i32
        %dma_wait3A_942 = arith.constant 0 : i32
        %dma_wait3A_943 = tpu.memref_slice %arg10[%dma_wait3A_930, %dma_wait3A_941, %dma_wait3A_942] : memref<4x128x64xf32, #tpu.memory_space<vmem>> -> memref<1x72x64xf32, #tpu.memory_space<vmem>>
        %dma_wait3A_944 = tpu.memref_squeeze %dma_wait3A_943 : memref<1x72x64xf32, #tpu.memory_space<vmem>> -> memref<72x64xf32, #tpu.memory_space<vmem>>
        tpu.wait_dma2 semaphore(%arg19 : memref<!tpu.dma_semaphore, #tpu.memory_space<semaphore_mem>>) src(%dma_wait3A_944 : memref<72x64xf32, #tpu.memory_space<vmem>>) dst(%dma_wait3A_940 : memref<72x64xf32, #tpu.memory_space<hbm>>)
      } else {
      }
      %mul3A_258 = arith.constant 4 : i32
      %mul3A_259 = arith.muli %scan3A_163, %mul3A_258 : i32
      %add3A_260 = arith.constant 3 : i32
      %add3A_261 = arith.addi %mul3A_259, %add3A_260 : i32
      %dma_start3A_262 = arith.constant 3 : i32
      %dma_start3A_263 = arith.constant 0 : i32
      %dma_start3A_264 = arith.constant 0 : i32
      %dma_start3A_265 = tpu.memref_slice %arg9[%dma_start3A_262, %dma_start3A_263, %dma_start3A_264] : memref<4x128x64xf32, #tpu.memory_space<vmem>> -> memref<1x128x64xf32, #tpu.memory_space<vmem>>
      %dma_start3A_266 = tpu.memref_squeeze %dma_start3A_265 : memref<1x128x64xf32, #tpu.memory_space<vmem>> -> memref<128x64xf32, #tpu.memory_space<vmem>>
      %dma_start3A_267 = arith.constant 0 : i32
      %dma_start3A_268 = tpu.memref_slice %arg7[%add3A_261, %dma_start3A_267] : memref<200x128xi32, #tpu.memory_space<vmem>> -> memref<1x128xi32, #tpu.memory_space<vmem>>
      %dma_start3A_269 = tpu.memref_squeeze %dma_start3A_268 : memref<1x128xi32, #tpu.memory_space<vmem>> -> memref<128xi32, #tpu.memory_space<vmem>>
      %dma_start3A_270 = arith.constant 0 : i32
      %dma_start3A_271 = arith.constant 0 : i32
      %dma_start3A_272 = tpu.memref_slice %arg4[%dma_start3A_270, %dma_start3A_271] : memref<100000x64xf32, #tpu.memory_space<hbm>> -> memref<100000x64xf32, #tpu.memory_space<hbm>>
      tpu.enqueue_indirect_dma source(%dma_start3A_272 : memref<100000x64xf32, #tpu.memory_space<hbm>>) target(%dma_start3A_266 : memref<128x64xf32, #tpu.memory_space<vmem>>) offsets(%dma_start3A_269 : memref<128xi32, #tpu.memory_space<vmem>>) semaphore(%arg12 : memref<!tpu.dma_semaphore, #tpu.memory_space<semaphore_mem>>)
      %dma_start3A_273 = arith.constant 3 : i32
      %dma_start3A_274 = arith.constant 0 : i32
      %dma_start3A_275 = arith.constant 0 : i32
      %dma_start3A_276 = tpu.memref_slice %arg10[%dma_start3A_273, %dma_start3A_274, %dma_start3A_275] : memref<4x128x64xf32, #tpu.memory_space<vmem>> -> memref<1x128x64xf32, #tpu.memory_space<vmem>>
      %dma_start3A_277 = tpu.memref_squeeze %dma_start3A_276 : memref<1x128x64xf32, #tpu.memory_space<vmem>> -> memref<128x64xf32, #tpu.memory_space<vmem>>
      %dma_start3A_278 = arith.constant 0 : i32
      %dma_start3A_279 = tpu.memref_slice %arg8[%add3A_261, %dma_start3A_278] : memref<200x128xi32, #tpu.memory_space<vmem>> -> memref<1x128xi32, #tpu.memory_space<vmem>>
      %dma_start3A_280 = tpu.memref_squeeze %dma_start3A_279 : memref<1x128xi32, #tpu.memory_space<vmem>> -> memref<128xi32, #tpu.memory_space<vmem>>
      %dma_start3A_281 = arith.constant 0 : i32
      %dma_start3A_282 = arith.constant 0 : i32
      %dma_start3A_283 = tpu.memref_slice %arg5[%dma_start3A_281, %dma_start3A_282] : memref<100000x64xf32, #tpu.memory_space<hbm>> -> memref<100000x64xf32, #tpu.memory_space<hbm>>
      tpu.enqueue_indirect_dma source(%dma_start3A_283 : memref<100000x64xf32, #tpu.memory_space<hbm>>) target(%dma_start3A_277 : memref<128x64xf32, #tpu.memory_space<vmem>>) offsets(%dma_start3A_280 : memref<128xi32, #tpu.memory_space<vmem>>) semaphore(%arg12 : memref<!tpu.dma_semaphore, #tpu.memory_space<semaphore_mem>>)
      %dma_wait3A_284 = arith.constant 0 : i32
      %dma_wait3A_285 = arith.constant 0 : i32
      %dma_wait3A_286 = arith.constant 0 : i32
      %dma_wait3A_287 = tpu.memref_slice %arg9[%dma_wait3A_284, %dma_wait3A_285, %dma_wait3A_286] : memref<4x128x64xf32, #tpu.memory_space<vmem>> -> memref<1x128x64xf32, #tpu.memory_space<vmem>>
      %dma_wait3A_288 = tpu.memref_squeeze %dma_wait3A_287 : memref<1x128x64xf32, #tpu.memory_space<vmem>> -> memref<128x64xf32, #tpu.memory_space<vmem>>
      %dma_wait3A_289 = arith.constant 0 : i32
      %dma_wait3A_290 = tpu.memref_slice %arg7[%add3A_169, %dma_wait3A_289] : memref<200x128xi32, #tpu.memory_space<vmem>> -> memref<1x128xi32, #tpu.memory_space<vmem>>
      %dma_wait3A_291 = tpu.memref_squeeze %dma_wait3A_290 : memref<1x128xi32, #tpu.memory_space<vmem>> -> memref<128xi32, #tpu.memory_space<vmem>>
      %dma_wait3A_292 = arith.constant 0 : i32
      %dma_wait3A_293 = arith.constant 0 : i32
      %dma_wait3A_294 = tpu.memref_slice %arg4[%dma_wait3A_292, %dma_wait3A_293] : memref<100000x64xf32, #tpu.memory_space<hbm>> -> memref<100000x64xf32, #tpu.memory_space<hbm>>
      tpu.wait_indirect_dma semaphore(%arg12 : memref<!tpu.dma_semaphore, #tpu.memory_space<semaphore_mem>>) src(%dma_wait3A_294 : memref<100000x64xf32, #tpu.memory_space<hbm>>) dst(%dma_wait3A_288 : memref<128x64xf32, #tpu.memory_space<vmem>>)
      %dma_wait3A_295 = arith.constant 0 : i32
      %dma_wait3A_296 = arith.constant 0 : i32
      %dma_wait3A_297 = arith.constant 0 : i32
      %dma_wait3A_298 = tpu.memref_slice %arg10[%dma_wait3A_295, %dma_wait3A_296, %dma_wait3A_297] : memref<4x128x64xf32, #tpu.memory_space<vmem>> -> memref<1x128x64xf32, #tpu.memory_space<vmem>>
      %dma_wait3A_299 = tpu.memref_squeeze %dma_wait3A_298 : memref<1x128x64xf32, #tpu.memory_space<vmem>> -> memref<128x64xf32, #tpu.memory_space<vmem>>
      %dma_wait3A_300 = arith.constant 0 : i32
      %dma_wait3A_301 = tpu.memref_slice %arg8[%add3A_169, %dma_wait3A_300] : memref<200x128xi32, #tpu.memory_space<vmem>> -> memref<1x128xi32, #tpu.memory_space<vmem>>
      %dma_wait3A_302 = tpu.memref_squeeze %dma_wait3A_301 : memref<1x128xi32, #tpu.memory_space<vmem>> -> memref<128xi32, #tpu.memory_space<vmem>>
      %dma_wait3A_303 = arith.constant 0 : i32
      %dma_wait3A_304 = arith.constant 0 : i32
      %dma_wait3A_305 = tpu.memref_slice %arg5[%dma_wait3A_303, %dma_wait3A_304] : memref<100000x64xf32, #tpu.memory_space<hbm>> -> memref<100000x64xf32, #tpu.memory_space<hbm>>
      tpu.wait_indirect_dma semaphore(%arg12 : memref<!tpu.dma_semaphore, #tpu.memory_space<semaphore_mem>>) src(%dma_wait3A_305 : memref<100000x64xf32, #tpu.memory_space<hbm>>) dst(%dma_wait3A_299 : memref<128x64xf32, #tpu.memory_space<vmem>>)
      %mul3A_306 = arith.constant 4 : i32
      %mul3A_307 = arith.muli %scan3A_163, %mul3A_306 : i32
      %add3A_308 = arith.addi %mul3A_2, %mul3A_307 : i32
      %add3A_309 = arith.constant 0 : i32
      %add3A_310 = arith.addi %add3A_308, %add3A_309 : i32
      %mul3A_311 = arith.constant 128 : i32
      %mul3A_312 = arith.muli %add3A_310, %mul3A_311 : i32
      %dma_start3A_313 = arith.constant 0 : i32
      %dma_start3A_314 = arith.constant 0 : i32
      %dma_start3A_315 = arith.constant 0 : i32
      %dma_start3A_316 = tpu.memref_slice %arg9[%dma_start3A_313, %dma_start3A_314, %dma_start3A_315] : memref<4x128x64xf32, #tpu.memory_space<vmem>> -> memref<1x72x64xf32, #tpu.memory_space<vmem>>
      %dma_start3A_317 = tpu.memref_squeeze %dma_start3A_316 : memref<1x72x64xf32, #tpu.memory_space<vmem>> -> memref<72x64xf32, #tpu.memory_space<vmem>>
      %dma_start3A_318 = arith.constant 0 : i32
      %dma_start3A_319 = tpu.memref_slice %arg6[%mul3A_312, %dma_start3A_318] : memref<819200x128xf32, #tpu.memory_space<hbm>> -> memref<72x64xf32, #tpu.memory_space<hbm>>
      %dma_start3A_320 = arith.constant 0 : i32
      %dma_start3A_321 = tpu.memref_slice %arg6[%mul3A_312, %dma_start3A_320] : memref<819200x128xf32, #tpu.memory_space<hbm>> -> memref<72x64xf32, #tpu.memory_space<hbm>>
      %dma_start3A_322 = arith.constant 0 : i32
      %dma_start3A_323 = arith.constant 0 : i32
      %dma_start3A_324 = tpu.memref_slice %arg9[%dma_start3A_313, %dma_start3A_322, %dma_start3A_323] : memref<4x128x64xf32, #tpu.memory_space<vmem>> -> memref<1x72x64xf32, #tpu.memory_space<vmem>>
      %dma_start3A_325 = tpu.memref_squeeze %dma_start3A_324 : memref<1x72x64xf32, #tpu.memory_space<vmem>> -> memref<72x64xf32, #tpu.memory_space<vmem>>
      tpu.enqueue_dma source(%dma_start3A_325 : memref<72x64xf32, #tpu.memory_space<vmem>>) target(%dma_start3A_321 : memref<72x64xf32, #tpu.memory_space<hbm>>) target_semaphore(%arg16 : memref<!tpu.dma_semaphore, #tpu.memory_space<semaphore_mem>>)
      %dma_start3A_326 = arith.constant 0 : i32
      %dma_start3A_327 = arith.constant 0 : i32
      %dma_start3A_328 = arith.constant 0 : i32
      %dma_start3A_329 = tpu.memref_slice %arg10[%dma_start3A_326, %dma_start3A_327, %dma_start3A_328] : memref<4x128x64xf32, #tpu.memory_space<vmem>> -> memref<1x72x64xf32, #tpu.memory_space<vmem>>
      %dma_start3A_330 = tpu.memref_squeeze %dma_start3A_329 : memref<1x72x64xf32, #tpu.memory_space<vmem>> -> memref<72x64xf32, #tpu.memory_space<vmem>>
      %dma_start3A_331 = arith.constant 64 : i32
      %dma_start3A_332 = tpu.memref_slice %arg6[%mul3A_312, %dma_start3A_331] : memref<819200x128xf32, #tpu.memory_space<hbm>> -> memref<72x64xf32, #tpu.memory_space<hbm>>
      %dma_start3A_333 = arith.constant 64 : i32
      %dma_start3A_334 = tpu.memref_slice %arg6[%mul3A_312, %dma_start3A_333] : memref<819200x128xf32, #tpu.memory_space<hbm>> -> memref<72x64xf32, #tpu.memory_space<hbm>>
      %dma_start3A_335 = arith.constant 0 : i32
      %dma_start3A_336 = arith.constant 0 : i32
      %dma_start3A_337 = tpu.memref_slice %arg10[%dma_start3A_326, %dma_start3A_335, %dma_start3A_336] : memref<4x128x64xf32, #tpu.memory_space<vmem>> -> memref<1x72x64xf32, #tpu.memory_space<vmem>>
      %dma_start3A_338 = tpu.memref_squeeze %dma_start3A_337 : memref<1x72x64xf32, #tpu.memory_space<vmem>> -> memref<72x64xf32, #tpu.memory_space<vmem>>
      tpu.enqueue_dma source(%dma_start3A_338 : memref<72x64xf32, #tpu.memory_space<vmem>>) target(%dma_start3A_334 : memref<72x64xf32, #tpu.memory_space<hbm>>) target_semaphore(%arg16 : memref<!tpu.dma_semaphore, #tpu.memory_space<semaphore_mem>>)
      %gt3A_339 = arith.constant 0 : i32
      %gt3A_340 = arith.cmpi sgt, %scan3A_163, %gt3A_339 : i32
      %or3A = arith.constant false
      %or3A_341 = arith.ori %gt3A_340, %or3A : i1
      %convert_element_type3A_342 = arith.extui %or3A_341 : i1 to i32
      %cond3A_343 = arith.constant 0 : i32
      %cond3A_344 = arith.cmpi ne, %convert_element_type3A_342, %cond3A_343 : i32
      scf.if %cond3A_344 {
        %dma_wait3A_915 = arith.constant 0 : i32
        %dma_wait3A_916 = arith.constant 0 : i32
        %dma_wait3A_917 = arith.constant 0 : i32
        %dma_wait3A_918 = arith.constant 0 : i32
        %dma_wait3A_919 = tpu.memref_slice %arg6[%dma_wait3A_917, %dma_wait3A_918] : memref<819200x128xf32, #tpu.memory_space<hbm>> -> memref<56x64xf32, #tpu.memory_space<hbm>>
        %dma_wait3A_920 = arith.constant 0 : i32
        %dma_wait3A_921 = arith.constant 0 : i32
        %dma_wait3A_922 = tpu.memref_slice %arg11[%arg1, %dma_wait3A_915, %dma_wait3A_916, %dma_wait3A_920, %dma_wait3A_921] : memref<16x2x2x56x64xf32, #tpu.memory_space<vmem_shared>> -> memref<1x1x1x56x64xf32, #tpu.memory_space<vmem_shared>>
        %dma_wait3A_923 = tpu.memref_squeeze %dma_wait3A_922 : memref<1x1x1x56x64xf32, #tpu.memory_space<vmem_shared>> -> memref<56x64xf32, #tpu.memory_space<vmem_shared>>
        tpu.wait_dma2 semaphore(%arg14 : memref<!tpu.dma_semaphore, #tpu.memory_space<semaphore_mem>>) src(%dma_wait3A_923 : memref<56x64xf32, #tpu.memory_space<vmem_shared>>) dst(%dma_wait3A_919 : memref<56x64xf32, #tpu.memory_space<hbm>>)
        %dma_wait3A_924 = arith.constant 0 : i32
        %dma_wait3A_925 = arith.constant 1 : i32
        %dma_wait3A_926 = arith.constant 0 : i32
        %dma_wait3A_927 = arith.constant 64 : i32
        %dma_wait3A_928 = tpu.memref_slice %arg6[%dma_wait3A_926, %dma_wait3A_927] : memref<819200x128xf32, #tpu.memory_space<hbm>> -> memref<56x64xf32, #tpu.memory_space<hbm>>
        %dma_wait3A_929 = arith.constant 0 : i32
        %dma_wait3A_930 = arith.constant 0 : i32
        %dma_wait3A_931 = tpu.memref_slice %arg11[%arg1, %dma_wait3A_924, %dma_wait3A_925, %dma_wait3A_929, %dma_wait3A_930] : memref<16x2x2x56x64xf32, #tpu.memory_space<vmem_shared>> -> memref<1x1x1x56x64xf32, #tpu.memory_space<vmem_shared>>
        %dma_wait3A_932 = tpu.memref_squeeze %dma_wait3A_931 : memref<1x1x1x56x64xf32, #tpu.memory_space<vmem_shared>> -> memref<56x64xf32, #tpu.memory_space<vmem_shared>>
        tpu.wait_dma2 semaphore(%arg14 : memref<!tpu.dma_semaphore, #tpu.memory_space<semaphore_mem>>) src(%dma_wait3A_932 : memref<56x64xf32, #tpu.memory_space<vmem_shared>>) dst(%dma_wait3A_928 : memref<56x64xf32, #tpu.memory_space<hbm>>)
      } else {
      }
      %dma_start3A_345 = arith.constant 0 : i32
      %dma_start3A_346 = arith.constant 0 : i32
      %dma_start3A_347 = arith.constant 0 : i32
      %dma_start3A_348 = arith.constant 72 : i32
      %dma_start3A_349 = arith.constant 0 : i32
      %dma_start3A_350 = tpu.memref_slice %arg9[%dma_start3A_345, %dma_start3A_348, %dma_start3A_349] : memref<4x128x64xf32, #tpu.memory_space<vmem>> -> memref<1x56x64xf32, #tpu.memory_space<vmem>>
      %dma_start3A_351 = tpu.memref_squeeze %dma_start3A_350 : memref<1x56x64xf32, #tpu.memory_space<vmem>> -> memref<56x64xf32, #tpu.memory_space<vmem>>
      %dma_start3A_352 = arith.constant 0 : i32
      %dma_start3A_353 = arith.constant 0 : i32
      %dma_start3A_354 = tpu.memref_slice %arg11[%arg1, %dma_start3A_346, %dma_start3A_347, %dma_start3A_352, %dma_start3A_353] : memref<16x2x2x56x64xf32, #tpu.memory_space<vmem_shared>> -> memref<1x1x1x56x64xf32, #tpu.memory_space<vmem_shared>>
      %dma_start3A_355 = tpu.memref_squeeze %dma_start3A_354 : memref<1x1x1x56x64xf32, #tpu.memory_space<vmem_shared>> -> memref<56x64xf32, #tpu.memory_space<vmem_shared>>
      %dma_start3A_356 = arith.constant 0 : i32
      %dma_start3A_357 = arith.constant 0 : i32
      %dma_start3A_358 = tpu.memref_slice %arg11[%arg1, %dma_start3A_346, %dma_start3A_347, %dma_start3A_356, %dma_start3A_357] : memref<16x2x2x56x64xf32, #tpu.memory_space<vmem_shared>> -> memref<1x1x1x56x64xf32, #tpu.memory_space<vmem_shared>>
      %dma_start3A_359 = tpu.memref_squeeze %dma_start3A_358 : memref<1x1x1x56x64xf32, #tpu.memory_space<vmem_shared>> -> memref<56x64xf32, #tpu.memory_space<vmem_shared>>
      %dma_start3A_360 = arith.constant 72 : i32
      %dma_start3A_361 = arith.constant 0 : i32
      %dma_start3A_362 = tpu.memref_slice %arg9[%dma_start3A_345, %dma_start3A_360, %dma_start3A_361] : memref<4x128x64xf32, #tpu.memory_space<vmem>> -> memref<1x56x64xf32, #tpu.memory_space<vmem>>
      %dma_start3A_363 = tpu.memref_squeeze %dma_start3A_362 : memref<1x56x64xf32, #tpu.memory_space<vmem>> -> memref<56x64xf32, #tpu.memory_space<vmem>>
      tpu.enqueue_dma source(%dma_start3A_363 : memref<56x64xf32, #tpu.memory_space<vmem>>) target(%dma_start3A_359 : memref<56x64xf32, #tpu.memory_space<vmem_shared>>) target_semaphore(%arg13 : memref<!tpu.dma_semaphore, #tpu.memory_space<semaphore_mem>>)
      %dma_start3A_364 = arith.constant 0 : i32
      %dma_start3A_365 = arith.constant 0 : i32
      %dma_start3A_366 = arith.constant 1 : i32
      %dma_start3A_367 = arith.constant 72 : i32
      %dma_start3A_368 = arith.constant 0 : i32
      %dma_start3A_369 = tpu.memref_slice %arg10[%dma_start3A_364, %dma_start3A_367, %dma_start3A_368] : memref<4x128x64xf32, #tpu.memory_space<vmem>> -> memref<1x56x64xf32, #tpu.memory_space<vmem>>
      %dma_start3A_370 = tpu.memref_squeeze %dma_start3A_369 : memref<1x56x64xf32, #tpu.memory_space<vmem>> -> memref<56x64xf32, #tpu.memory_space<vmem>>
      %dma_start3A_371 = arith.constant 0 : i32
      %dma_start3A_372 = arith.constant 0 : i32
      %dma_start3A_373 = tpu.memref_slice %arg11[%arg1, %dma_start3A_365, %dma_start3A_366, %dma_start3A_371, %dma_start3A_372] : memref<16x2x2x56x64xf32, #tpu.memory_space<vmem_shared>> -> memref<1x1x1x56x64xf32, #tpu.memory_space<vmem_shared>>
      %dma_start3A_374 = tpu.memref_squeeze %dma_start3A_373 : memref<1x1x1x56x64xf32, #tpu.memory_space<vmem_shared>> -> memref<56x64xf32, #tpu.memory_space<vmem_shared>>
      %dma_start3A_375 = arith.constant 0 : i32
      %dma_start3A_376 = arith.constant 0 : i32
      %dma_start3A_377 = tpu.memref_slice %arg11[%arg1, %dma_start3A_365, %dma_start3A_366, %dma_start3A_375, %dma_start3A_376] : memref<16x2x2x56x64xf32, #tpu.memory_space<vmem_shared>> -> memref<1x1x1x56x64xf32, #tpu.memory_space<vmem_shared>>
      %dma_start3A_378 = tpu.memref_squeeze %dma_start3A_377 : memref<1x1x1x56x64xf32, #tpu.memory_space<vmem_shared>> -> memref<56x64xf32, #tpu.memory_space<vmem_shared>>
      %dma_start3A_379 = arith.constant 72 : i32
      %dma_start3A_380 = arith.constant 0 : i32
      %dma_start3A_381 = tpu.memref_slice %arg10[%dma_start3A_364, %dma_start3A_379, %dma_start3A_380] : memref<4x128x64xf32, #tpu.memory_space<vmem>> -> memref<1x56x64xf32, #tpu.memory_space<vmem>>
      %dma_start3A_382 = tpu.memref_squeeze %dma_start3A_381 : memref<1x56x64xf32, #tpu.memory_space<vmem>> -> memref<56x64xf32, #tpu.memory_space<vmem>>
      tpu.enqueue_dma source(%dma_start3A_382 : memref<56x64xf32, #tpu.memory_space<vmem>>) target(%dma_start3A_378 : memref<56x64xf32, #tpu.memory_space<vmem_shared>>) target_semaphore(%arg13 : memref<!tpu.dma_semaphore, #tpu.memory_space<semaphore_mem>>)
      %dma_wait3A_383 = arith.constant 0 : i32
      %dma_wait3A_384 = arith.constant 0 : i32
      %dma_wait3A_385 = arith.constant 0 : i32
      %dma_wait3A_386 = arith.constant 72 : i32
      %dma_wait3A_387 = arith.constant 0 : i32
      %dma_wait3A_388 = tpu.memref_slice %arg9[%dma_wait3A_383, %dma_wait3A_386, %dma_wait3A_387] : memref<4x128x64xf32, #tpu.memory_space<vmem>> -> memref<1x56x64xf32, #tpu.memory_space<vmem>>
      %dma_wait3A_389 = tpu.memref_squeeze %dma_wait3A_388 : memref<1x56x64xf32, #tpu.memory_space<vmem>> -> memref<56x64xf32, #tpu.memory_space<vmem>>
      %dma_wait3A_390 = arith.constant 0 : i32
      %dma_wait3A_391 = arith.constant 0 : i32
      %dma_wait3A_392 = tpu.memref_slice %arg11[%arg1, %dma_wait3A_384, %dma_wait3A_385, %dma_wait3A_390, %dma_wait3A_391] : memref<16x2x2x56x64xf32, #tpu.memory_space<vmem_shared>> -> memref<1x1x1x56x64xf32, #tpu.memory_space<vmem_shared>>
      %dma_wait3A_393 = tpu.memref_squeeze %dma_wait3A_392 : memref<1x1x1x56x64xf32, #tpu.memory_space<vmem_shared>> -> memref<56x64xf32, #tpu.memory_space<vmem_shared>>
      %dma_wait3A_394 = arith.constant 0 : i32
      %dma_wait3A_395 = arith.constant 0 : i32
      %dma_wait3A_396 = tpu.memref_slice %arg11[%arg1, %dma_wait3A_384, %dma_wait3A_385, %dma_wait3A_394, %dma_wait3A_395] : memref<16x2x2x56x64xf32, #tpu.memory_space<vmem_shared>> -> memref<1x1x1x56x64xf32, #tpu.memory_space<vmem_shared>>
      %dma_wait3A_397 = tpu.memref_squeeze %dma_wait3A_396 : memref<1x1x1x56x64xf32, #tpu.memory_space<vmem_shared>> -> memref<56x64xf32, #tpu.memory_space<vmem_shared>>
      %dma_wait3A_398 = arith.constant 72 : i32
      %dma_wait3A_399 = arith.constant 0 : i32
      %dma_wait3A_400 = tpu.memref_slice %arg9[%dma_wait3A_383, %dma_wait3A_398, %dma_wait3A_399] : memref<4x128x64xf32, #tpu.memory_space<vmem>> -> memref<1x56x64xf32, #tpu.memory_space<vmem>>
      %dma_wait3A_401 = tpu.memref_squeeze %dma_wait3A_400 : memref<1x56x64xf32, #tpu.memory_space<vmem>> -> memref<56x64xf32, #tpu.memory_space<vmem>>
      tpu.wait_dma2 semaphore(%arg13 : memref<!tpu.dma_semaphore, #tpu.memory_space<semaphore_mem>>) src(%dma_wait3A_401 : memref<56x64xf32, #tpu.memory_space<vmem>>) dst(%dma_wait3A_397 : memref<56x64xf32, #tpu.memory_space<vmem_shared>>)
      %dma_wait3A_402 = arith.constant 0 : i32
      %dma_wait3A_403 = arith.constant 0 : i32
      %dma_wait3A_404 = arith.constant 1 : i32
      %dma_wait3A_405 = arith.constant 72 : i32
      %dma_wait3A_406 = arith.constant 0 : i32
      %dma_wait3A_407 = tpu.memref_slice %arg10[%dma_wait3A_402, %dma_wait3A_405, %dma_wait3A_406] : memref<4x128x64xf32, #tpu.memory_space<vmem>> -> memref<1x56x64xf32, #tpu.memory_space<vmem>>
      %dma_wait3A_408 = tpu.memref_squeeze %dma_wait3A_407 : memref<1x56x64xf32, #tpu.memory_space<vmem>> -> memref<56x64xf32, #tpu.memory_space<vmem>>
      %dma_wait3A_409 = arith.constant 0 : i32
      %dma_wait3A_410 = arith.constant 0 : i32
      %dma_wait3A_411 = tpu.memref_slice %arg11[%arg1, %dma_wait3A_403, %dma_wait3A_404, %dma_wait3A_409, %dma_wait3A_410] : memref<16x2x2x56x64xf32, #tpu.memory_space<vmem_shared>> -> memref<1x1x1x56x64xf32, #tpu.memory_space<vmem_shared>>
      %dma_wait3A_412 = tpu.memref_squeeze %dma_wait3A_411 : memref<1x1x1x56x64xf32, #tpu.memory_space<vmem_shared>> -> memref<56x64xf32, #tpu.memory_space<vmem_shared>>
      %dma_wait3A_413 = arith.constant 0 : i32
      %dma_wait3A_414 = arith.constant 0 : i32
      %dma_wait3A_415 = tpu.memref_slice %arg11[%arg1, %dma_wait3A_403, %dma_wait3A_404, %dma_wait3A_413, %dma_wait3A_414] : memref<16x2x2x56x64xf32, #tpu.memory_space<vmem_shared>> -> memref<1x1x1x56x64xf32, #tpu.memory_space<vmem_shared>>
      %dma_wait3A_416 = tpu.memref_squeeze %dma_wait3A_415 : memref<1x1x1x56x64xf32, #tpu.memory_space<vmem_shared>> -> memref<56x64xf32, #tpu.memory_space<vmem_shared>>
      %dma_wait3A_417 = arith.constant 72 : i32
      %dma_wait3A_418 = arith.constant 0 : i32
      %dma_wait3A_419 = tpu.memref_slice %arg10[%dma_wait3A_402, %dma_wait3A_417, %dma_wait3A_418] : memref<4x128x64xf32, #tpu.memory_space<vmem>> -> memref<1x56x64xf32, #tpu.memory_space<vmem>>
      %dma_wait3A_420 = tpu.memref_squeeze %dma_wait3A_419 : memref<1x56x64xf32, #tpu.memory_space<vmem>> -> memref<56x64xf32, #tpu.memory_space<vmem>>
      tpu.wait_dma2 semaphore(%arg13 : memref<!tpu.dma_semaphore, #tpu.memory_space<semaphore_mem>>) src(%dma_wait3A_420 : memref<56x64xf32, #tpu.memory_space<vmem>>) dst(%dma_wait3A_416 : memref<56x64xf32, #tpu.memory_space<vmem_shared>>)
      %add3A_421 = arith.constant 72 : i32
      %add3A_422 = arith.addi %mul3A_312, %add3A_421 : i32
      %dma_start3A_423 = arith.constant 0 : i32
      %dma_start3A_424 = arith.constant 0 : i32
      %dma_start3A_425 = arith.constant 0 : i32
      %dma_start3A_426 = tpu.memref_slice %arg6[%add3A_422, %dma_start3A_425] : memref<819200x128xf32, #tpu.memory_space<hbm>> -> memref<56x64xf32, #tpu.memory_space<hbm>>
      %dma_start3A_427 = arith.constant 0 : i32
      %dma_start3A_428 = arith.constant 0 : i32
      %dma_start3A_429 = tpu.memref_slice %arg11[%arg1, %dma_start3A_423, %dma_start3A_424, %dma_start3A_427, %dma_start3A_428] : memref<16x2x2x56x64xf32, #tpu.memory_space<vmem_shared>> -> memref<1x1x1x56x64xf32, #tpu.memory_space<vmem_shared>>
      %dma_start3A_430 = tpu.memref_squeeze %dma_start3A_429 : memref<1x1x1x56x64xf32, #tpu.memory_space<vmem_shared>> -> memref<56x64xf32, #tpu.memory_space<vmem_shared>>
      tpu.enqueue_dma source(%dma_start3A_430 : memref<56x64xf32, #tpu.memory_space<vmem_shared>>) target(%dma_start3A_426 : memref<56x64xf32, #tpu.memory_space<hbm>>) target_semaphore(%arg14 : memref<!tpu.dma_semaphore, #tpu.memory_space<semaphore_mem>>)
      %add3A_431 = arith.constant 72 : i32
      %add3A_432 = arith.addi %mul3A_312, %add3A_431 : i32
      %dma_start3A_433 = arith.constant 0 : i32
      %dma_start3A_434 = arith.constant 1 : i32
      %dma_start3A_435 = arith.constant 64 : i32
      %dma_start3A_436 = tpu.memref_slice %arg6[%add3A_432, %dma_start3A_435] : memref<819200x128xf32, #tpu.memory_space<hbm>> -> memref<56x64xf32, #tpu.memory_space<hbm>>
      %dma_start3A_437 = arith.constant 0 : i32
      %dma_start3A_438 = arith.constant 0 : i32
      %dma_start3A_439 = tpu.memref_slice %arg11[%arg1, %dma_start3A_433, %dma_start3A_434, %dma_start3A_437, %dma_start3A_438] : memref<16x2x2x56x64xf32, #tpu.memory_space<vmem_shared>> -> memref<1x1x1x56x64xf32, #tpu.memory_space<vmem_shared>>
      %dma_start3A_440 = tpu.memref_squeeze %dma_start3A_439 : memref<1x1x1x56x64xf32, #tpu.memory_space<vmem_shared>> -> memref<56x64xf32, #tpu.memory_space<vmem_shared>>
      tpu.enqueue_dma source(%dma_start3A_440 : memref<56x64xf32, #tpu.memory_space<vmem_shared>>) target(%dma_start3A_436 : memref<56x64xf32, #tpu.memory_space<hbm>>) target_semaphore(%arg14 : memref<!tpu.dma_semaphore, #tpu.memory_space<semaphore_mem>>)
      %dma_wait3A_441 = arith.constant 1 : i32
      %dma_wait3A_442 = arith.constant 0 : i32
      %dma_wait3A_443 = arith.constant 0 : i32
      %dma_wait3A_444 = tpu.memref_slice %arg9[%dma_wait3A_441, %dma_wait3A_442, %dma_wait3A_443] : memref<4x128x64xf32, #tpu.memory_space<vmem>> -> memref<1x128x64xf32, #tpu.memory_space<vmem>>
      %dma_wait3A_445 = tpu.memref_squeeze %dma_wait3A_444 : memref<1x128x64xf32, #tpu.memory_space<vmem>> -> memref<128x64xf32, #tpu.memory_space<vmem>>
      %dma_wait3A_446 = arith.constant 0 : i32
      %dma_wait3A_447 = tpu.memref_slice %arg7[%add3A_199, %dma_wait3A_446] : memref<200x128xi32, #tpu.memory_space<vmem>> -> memref<1x128xi32, #tpu.memory_space<vmem>>
      %dma_wait3A_448 = tpu.memref_squeeze %dma_wait3A_447 : memref<1x128xi32, #tpu.memory_space<vmem>> -> memref<128xi32, #tpu.memory_space<vmem>>
      %dma_wait3A_449 = arith.constant 0 : i32
      %dma_wait3A_450 = arith.constant 0 : i32
      %dma_wait3A_451 = tpu.memref_slice %arg4[%dma_wait3A_449, %dma_wait3A_450] : memref<100000x64xf32, #tpu.memory_space<hbm>> -> memref<100000x64xf32, #tpu.memory_space<hbm>>
      tpu.wait_indirect_dma semaphore(%arg12 : memref<!tpu.dma_semaphore, #tpu.memory_space<semaphore_mem>>) src(%dma_wait3A_451 : memref<100000x64xf32, #tpu.memory_space<hbm>>) dst(%dma_wait3A_445 : memref<128x64xf32, #tpu.memory_space<vmem>>)
      %dma_wait3A_452 = arith.constant 1 : i32
      %dma_wait3A_453 = arith.constant 0 : i32
      %dma_wait3A_454 = arith.constant 0 : i32
      %dma_wait3A_455 = tpu.memref_slice %arg10[%dma_wait3A_452, %dma_wait3A_453, %dma_wait3A_454] : memref<4x128x64xf32, #tpu.memory_space<vmem>> -> memref<1x128x64xf32, #tpu.memory_space<vmem>>
      %dma_wait3A_456 = tpu.memref_squeeze %dma_wait3A_455 : memref<1x128x64xf32, #tpu.memory_space<vmem>> -> memref<128x64xf32, #tpu.memory_space<vmem>>
      %dma_wait3A_457 = arith.constant 0 : i32
      %dma_wait3A_458 = tpu.memref_slice %arg8[%add3A_199, %dma_wait3A_457] : memref<200x128xi32, #tpu.memory_space<vmem>> -> memref<1x128xi32, #tpu.memory_space<vmem>>
      %dma_wait3A_459 = tpu.memref_squeeze %dma_wait3A_458 : memref<1x128xi32, #tpu.memory_space<vmem>> -> memref<128xi32, #tpu.memory_space<vmem>>
      %dma_wait3A_460 = arith.constant 0 : i32
      %dma_wait3A_461 = arith.constant 0 : i32
      %dma_wait3A_462 = tpu.memref_slice %arg5[%dma_wait3A_460, %dma_wait3A_461] : memref<100000x64xf32, #tpu.memory_space<hbm>> -> memref<100000x64xf32, #tpu.memory_space<hbm>>
      tpu.wait_indirect_dma semaphore(%arg12 : memref<!tpu.dma_semaphore, #tpu.memory_space<semaphore_mem>>) src(%dma_wait3A_462 : memref<100000x64xf32, #tpu.memory_space<hbm>>) dst(%dma_wait3A_456 : memref<128x64xf32, #tpu.memory_space<vmem>>)
      %mul3A_463 = arith.constant 4 : i32
      %mul3A_464 = arith.muli %scan3A_163, %mul3A_463 : i32
      %add3A_465 = arith.addi %mul3A_2, %mul3A_464 : i32
      %add3A_466 = arith.constant 1 : i32
      %add3A_467 = arith.addi %add3A_465, %add3A_466 : i32
      %mul3A_468 = arith.constant 128 : i32
      %mul3A_469 = arith.muli %add3A_467, %mul3A_468 : i32
      %dma_start3A_470 = arith.constant 1 : i32
      %dma_start3A_471 = arith.constant 0 : i32
      %dma_start3A_472 = arith.constant 0 : i32
      %dma_start3A_473 = tpu.memref_slice %arg9[%dma_start3A_470, %dma_start3A_471, %dma_start3A_472] : memref<4x128x64xf32, #tpu.memory_space<vmem>> -> memref<1x72x64xf32, #tpu.memory_space<vmem>>
      %dma_start3A_474 = tpu.memref_squeeze %dma_start3A_473 : memref<1x72x64xf32, #tpu.memory_space<vmem>> -> memref<72x64xf32, #tpu.memory_space<vmem>>
      %dma_start3A_475 = arith.constant 0 : i32
      %dma_start3A_476 = tpu.memref_slice %arg6[%mul3A_469, %dma_start3A_475] : memref<819200x128xf32, #tpu.memory_space<hbm>> -> memref<72x64xf32, #tpu.memory_space<hbm>>
      %dma_start3A_477 = arith.constant 0 : i32
      %dma_start3A_478 = tpu.memref_slice %arg6[%mul3A_469, %dma_start3A_477] : memref<819200x128xf32, #tpu.memory_space<hbm>> -> memref<72x64xf32, #tpu.memory_space<hbm>>
      %dma_start3A_479 = arith.constant 0 : i32
      %dma_start3A_480 = arith.constant 0 : i32
      %dma_start3A_481 = tpu.memref_slice %arg9[%dma_start3A_470, %dma_start3A_479, %dma_start3A_480] : memref<4x128x64xf32, #tpu.memory_space<vmem>> -> memref<1x72x64xf32, #tpu.memory_space<vmem>>
      %dma_start3A_482 = tpu.memref_squeeze %dma_start3A_481 : memref<1x72x64xf32, #tpu.memory_space<vmem>> -> memref<72x64xf32, #tpu.memory_space<vmem>>
      tpu.enqueue_dma source(%dma_start3A_482 : memref<72x64xf32, #tpu.memory_space<vmem>>) target(%dma_start3A_478 : memref<72x64xf32, #tpu.memory_space<hbm>>) target_semaphore(%arg17 : memref<!tpu.dma_semaphore, #tpu.memory_space<semaphore_mem>>)
      %dma_start3A_483 = arith.constant 1 : i32
      %dma_start3A_484 = arith.constant 0 : i32
      %dma_start3A_485 = arith.constant 0 : i32
      %dma_start3A_486 = tpu.memref_slice %arg10[%dma_start3A_483, %dma_start3A_484, %dma_start3A_485] : memref<4x128x64xf32, #tpu.memory_space<vmem>> -> memref<1x72x64xf32, #tpu.memory_space<vmem>>
      %dma_start3A_487 = tpu.memref_squeeze %dma_start3A_486 : memref<1x72x64xf32, #tpu.memory_space<vmem>> -> memref<72x64xf32, #tpu.memory_space<vmem>>
      %dma_start3A_488 = arith.constant 64 : i32
      %dma_start3A_489 = tpu.memref_slice %arg6[%mul3A_469, %dma_start3A_488] : memref<819200x128xf32, #tpu.memory_space<hbm>> -> memref<72x64xf32, #tpu.memory_space<hbm>>
      %dma_start3A_490 = arith.constant 64 : i32
      %dma_start3A_491 = tpu.memref_slice %arg6[%mul3A_469, %dma_start3A_490] : memref<819200x128xf32, #tpu.memory_space<hbm>> -> memref<72x64xf32, #tpu.memory_space<hbm>>
      %dma_start3A_492 = arith.constant 0 : i32
      %dma_start3A_493 = arith.constant 0 : i32
      %dma_start3A_494 = tpu.memref_slice %arg10[%dma_start3A_483, %dma_start3A_492, %dma_start3A_493] : memref<4x128x64xf32, #tpu.memory_space<vmem>> -> memref<1x72x64xf32, #tpu.memory_space<vmem>>
      %dma_start3A_495 = tpu.memref_squeeze %dma_start3A_494 : memref<1x72x64xf32, #tpu.memory_space<vmem>> -> memref<72x64xf32, #tpu.memory_space<vmem>>
      tpu.enqueue_dma source(%dma_start3A_495 : memref<72x64xf32, #tpu.memory_space<vmem>>) target(%dma_start3A_491 : memref<72x64xf32, #tpu.memory_space<hbm>>) target_semaphore(%arg17 : memref<!tpu.dma_semaphore, #tpu.memory_space<semaphore_mem>>)
      %gt3A_496 = arith.constant 0 : i32
      %gt3A_497 = arith.cmpi sgt, %scan3A_163, %gt3A_496 : i32
      %or3A_498 = arith.constant false
      %or3A_499 = arith.ori %gt3A_497, %or3A_498 : i1
      %convert_element_type3A_500 = arith.extui %or3A_499 : i1 to i32
      %cond3A_501 = arith.constant 0 : i32
      %cond3A_502 = arith.cmpi ne, %convert_element_type3A_500, %cond3A_501 : i32
      scf.if %cond3A_502 {
        %dma_wait3A_915 = arith.constant 1 : i32
        %dma_wait3A_916 = arith.constant 0 : i32
        %dma_wait3A_917 = arith.constant 0 : i32
        %dma_wait3A_918 = arith.constant 0 : i32
        %dma_wait3A_919 = tpu.memref_slice %arg6[%dma_wait3A_917, %dma_wait3A_918] : memref<819200x128xf32, #tpu.memory_space<hbm>> -> memref<56x64xf32, #tpu.memory_space<hbm>>
        %dma_wait3A_920 = arith.constant 0 : i32
        %dma_wait3A_921 = arith.constant 0 : i32
        %dma_wait3A_922 = tpu.memref_slice %arg11[%arg1, %dma_wait3A_915, %dma_wait3A_916, %dma_wait3A_920, %dma_wait3A_921] : memref<16x2x2x56x64xf32, #tpu.memory_space<vmem_shared>> -> memref<1x1x1x56x64xf32, #tpu.memory_space<vmem_shared>>
        %dma_wait3A_923 = tpu.memref_squeeze %dma_wait3A_922 : memref<1x1x1x56x64xf32, #tpu.memory_space<vmem_shared>> -> memref<56x64xf32, #tpu.memory_space<vmem_shared>>
        tpu.wait_dma2 semaphore(%arg15 : memref<!tpu.dma_semaphore, #tpu.memory_space<semaphore_mem>>) src(%dma_wait3A_923 : memref<56x64xf32, #tpu.memory_space<vmem_shared>>) dst(%dma_wait3A_919 : memref<56x64xf32, #tpu.memory_space<hbm>>)
        %dma_wait3A_924 = arith.constant 1 : i32
        %dma_wait3A_925 = arith.constant 1 : i32
        %dma_wait3A_926 = arith.constant 0 : i32
        %dma_wait3A_927 = arith.constant 64 : i32
        %dma_wait3A_928 = tpu.memref_slice %arg6[%dma_wait3A_926, %dma_wait3A_927] : memref<819200x128xf32, #tpu.memory_space<hbm>> -> memref<56x64xf32, #tpu.memory_space<hbm>>
        %dma_wait3A_929 = arith.constant 0 : i32
        %dma_wait3A_930 = arith.constant 0 : i32
        %dma_wait3A_931 = tpu.memref_slice %arg11[%arg1, %dma_wait3A_924, %dma_wait3A_925, %dma_wait3A_929, %dma_wait3A_930] : memref<16x2x2x56x64xf32, #tpu.memory_space<vmem_shared>> -> memref<1x1x1x56x64xf32, #tpu.memory_space<vmem_shared>>
        %dma_wait3A_932 = tpu.memref_squeeze %dma_wait3A_931 : memref<1x1x1x56x64xf32, #tpu.memory_space<vmem_shared>> -> memref<56x64xf32, #tpu.memory_space<vmem_shared>>
        tpu.wait_dma2 semaphore(%arg15 : memref<!tpu.dma_semaphore, #tpu.memory_space<semaphore_mem>>) src(%dma_wait3A_932 : memref<56x64xf32, #tpu.memory_space<vmem_shared>>) dst(%dma_wait3A_928 : memref<56x64xf32, #tpu.memory_space<hbm>>)
      } else {
      }
      %dma_start3A_503 = arith.constant 1 : i32
      %dma_start3A_504 = arith.constant 1 : i32
      %dma_start3A_505 = arith.constant 0 : i32
      %dma_start3A_506 = arith.constant 72 : i32
      %dma_start3A_507 = arith.constant 0 : i32
      %dma_start3A_508 = tpu.memref_slice %arg9[%dma_start3A_503, %dma_start3A_506, %dma_start3A_507] : memref<4x128x64xf32, #tpu.memory_space<vmem>> -> memref<1x56x64xf32, #tpu.memory_space<vmem>>
      %dma_start3A_509 = tpu.memref_squeeze %dma_start3A_508 : memref<1x56x64xf32, #tpu.memory_space<vmem>> -> memref<56x64xf32, #tpu.memory_space<vmem>>
      %dma_start3A_510 = arith.constant 0 : i32
      %dma_start3A_511 = arith.constant 0 : i32
      %dma_start3A_512 = tpu.memref_slice %arg11[%arg1, %dma_start3A_504, %dma_start3A_505, %dma_start3A_510, %dma_start3A_511] : memref<16x2x2x56x64xf32, #tpu.memory_space<vmem_shared>> -> memref<1x1x1x56x64xf32, #tpu.memory_space<vmem_shared>>
      %dma_start3A_513 = tpu.memref_squeeze %dma_start3A_512 : memref<1x1x1x56x64xf32, #tpu.memory_space<vmem_shared>> -> memref<56x64xf32, #tpu.memory_space<vmem_shared>>
      %dma_start3A_514 = arith.constant 0 : i32
      %dma_start3A_515 = arith.constant 0 : i32
      %dma_start3A_516 = tpu.memref_slice %arg11[%arg1, %dma_start3A_504, %dma_start3A_505, %dma_start3A_514, %dma_start3A_515] : memref<16x2x2x56x64xf32, #tpu.memory_space<vmem_shared>> -> memref<1x1x1x56x64xf32, #tpu.memory_space<vmem_shared>>
      %dma_start3A_517 = tpu.memref_squeeze %dma_start3A_516 : memref<1x1x1x56x64xf32, #tpu.memory_space<vmem_shared>> -> memref<56x64xf32, #tpu.memory_space<vmem_shared>>
      %dma_start3A_518 = arith.constant 72 : i32
      %dma_start3A_519 = arith.constant 0 : i32
      %dma_start3A_520 = tpu.memref_slice %arg9[%dma_start3A_503, %dma_start3A_518, %dma_start3A_519] : memref<4x128x64xf32, #tpu.memory_space<vmem>> -> memref<1x56x64xf32, #tpu.memory_space<vmem>>
      %dma_start3A_521 = tpu.memref_squeeze %dma_start3A_520 : memref<1x56x64xf32, #tpu.memory_space<vmem>> -> memref<56x64xf32, #tpu.memory_space<vmem>>
      tpu.enqueue_dma source(%dma_start3A_521 : memref<56x64xf32, #tpu.memory_space<vmem>>) target(%dma_start3A_517 : memref<56x64xf32, #tpu.memory_space<vmem_shared>>) target_semaphore(%arg13 : memref<!tpu.dma_semaphore, #tpu.memory_space<semaphore_mem>>)
      %dma_start3A_522 = arith.constant 1 : i32
      %dma_start3A_523 = arith.constant 1 : i32
      %dma_start3A_524 = arith.constant 1 : i32
      %dma_start3A_525 = arith.constant 72 : i32
      %dma_start3A_526 = arith.constant 0 : i32
      %dma_start3A_527 = tpu.memref_slice %arg10[%dma_start3A_522, %dma_start3A_525, %dma_start3A_526] : memref<4x128x64xf32, #tpu.memory_space<vmem>> -> memref<1x56x64xf32, #tpu.memory_space<vmem>>
      %dma_start3A_528 = tpu.memref_squeeze %dma_start3A_527 : memref<1x56x64xf32, #tpu.memory_space<vmem>> -> memref<56x64xf32, #tpu.memory_space<vmem>>
      %dma_start3A_529 = arith.constant 0 : i32
      %dma_start3A_530 = arith.constant 0 : i32
      %dma_start3A_531 = tpu.memref_slice %arg11[%arg1, %dma_start3A_523, %dma_start3A_524, %dma_start3A_529, %dma_start3A_530] : memref<16x2x2x56x64xf32, #tpu.memory_space<vmem_shared>> -> memref<1x1x1x56x64xf32, #tpu.memory_space<vmem_shared>>
      %dma_start3A_532 = tpu.memref_squeeze %dma_start3A_531 : memref<1x1x1x56x64xf32, #tpu.memory_space<vmem_shared>> -> memref<56x64xf32, #tpu.memory_space<vmem_shared>>
      %dma_start3A_533 = arith.constant 0 : i32
      %dma_start3A_534 = arith.constant 0 : i32
      %dma_start3A_535 = tpu.memref_slice %arg11[%arg1, %dma_start3A_523, %dma_start3A_524, %dma_start3A_533, %dma_start3A_534] : memref<16x2x2x56x64xf32, #tpu.memory_space<vmem_shared>> -> memref<1x1x1x56x64xf32, #tpu.memory_space<vmem_shared>>
      %dma_start3A_536 = tpu.memref_squeeze %dma_start3A_535 : memref<1x1x1x56x64xf32, #tpu.memory_space<vmem_shared>> -> memref<56x64xf32, #tpu.memory_space<vmem_shared>>
      %dma_start3A_537 = arith.constant 72 : i32
      %dma_start3A_538 = arith.constant 0 : i32
      %dma_start3A_539 = tpu.memref_slice %arg10[%dma_start3A_522, %dma_start3A_537, %dma_start3A_538] : memref<4x128x64xf32, #tpu.memory_space<vmem>> -> memref<1x56x64xf32, #tpu.memory_space<vmem>>
      %dma_start3A_540 = tpu.memref_squeeze %dma_start3A_539 : memref<1x56x64xf32, #tpu.memory_space<vmem>> -> memref<56x64xf32, #tpu.memory_space<vmem>>
      tpu.enqueue_dma source(%dma_start3A_540 : memref<56x64xf32, #tpu.memory_space<vmem>>) target(%dma_start3A_536 : memref<56x64xf32, #tpu.memory_space<vmem_shared>>) target_semaphore(%arg13 : memref<!tpu.dma_semaphore, #tpu.memory_space<semaphore_mem>>)
      %dma_wait3A_541 = arith.constant 1 : i32
      %dma_wait3A_542 = arith.constant 1 : i32
      %dma_wait3A_543 = arith.constant 0 : i32
      %dma_wait3A_544 = arith.constant 72 : i32
      %dma_wait3A_545 = arith.constant 0 : i32
      %dma_wait3A_546 = tpu.memref_slice %arg9[%dma_wait3A_541, %dma_wait3A_544, %dma_wait3A_545] : memref<4x128x64xf32, #tpu.memory_space<vmem>> -> memref<1x56x64xf32, #tpu.memory_space<vmem>>
      %dma_wait3A_547 = tpu.memref_squeeze %dma_wait3A_546 : memref<1x56x64xf32, #tpu.memory_space<vmem>> -> memref<56x64xf32, #tpu.memory_space<vmem>>
      %dma_wait3A_548 = arith.constant 0 : i32
      %dma_wait3A_549 = arith.constant 0 : i32
      %dma_wait3A_550 = tpu.memref_slice %arg11[%arg1, %dma_wait3A_542, %dma_wait3A_543, %dma_wait3A_548, %dma_wait3A_549] : memref<16x2x2x56x64xf32, #tpu.memory_space<vmem_shared>> -> memref<1x1x1x56x64xf32, #tpu.memory_space<vmem_shared>>
      %dma_wait3A_551 = tpu.memref_squeeze %dma_wait3A_550 : memref<1x1x1x56x64xf32, #tpu.memory_space<vmem_shared>> -> memref<56x64xf32, #tpu.memory_space<vmem_shared>>
      %dma_wait3A_552 = arith.constant 0 : i32
      %dma_wait3A_553 = arith.constant 0 : i32
      %dma_wait3A_554 = tpu.memref_slice %arg11[%arg1, %dma_wait3A_542, %dma_wait3A_543, %dma_wait3A_552, %dma_wait3A_553] : memref<16x2x2x56x64xf32, #tpu.memory_space<vmem_shared>> -> memref<1x1x1x56x64xf32, #tpu.memory_space<vmem_shared>>
      %dma_wait3A_555 = tpu.memref_squeeze %dma_wait3A_554 : memref<1x1x1x56x64xf32, #tpu.memory_space<vmem_shared>> -> memref<56x64xf32, #tpu.memory_space<vmem_shared>>
      %dma_wait3A_556 = arith.constant 72 : i32
      %dma_wait3A_557 = arith.constant 0 : i32
      %dma_wait3A_558 = tpu.memref_slice %arg9[%dma_wait3A_541, %dma_wait3A_556, %dma_wait3A_557] : memref<4x128x64xf32, #tpu.memory_space<vmem>> -> memref<1x56x64xf32, #tpu.memory_space<vmem>>
      %dma_wait3A_559 = tpu.memref_squeeze %dma_wait3A_558 : memref<1x56x64xf32, #tpu.memory_space<vmem>> -> memref<56x64xf32, #tpu.memory_space<vmem>>
      tpu.wait_dma2 semaphore(%arg13 : memref<!tpu.dma_semaphore, #tpu.memory_space<semaphore_mem>>) src(%dma_wait3A_559 : memref<56x64xf32, #tpu.memory_space<vmem>>) dst(%dma_wait3A_555 : memref<56x64xf32, #tpu.memory_space<vmem_shared>>)
      %dma_wait3A_560 = arith.constant 1 : i32
      %dma_wait3A_561 = arith.constant 1 : i32
      %dma_wait3A_562 = arith.constant 1 : i32
      %dma_wait3A_563 = arith.constant 72 : i32
      %dma_wait3A_564 = arith.constant 0 : i32
      %dma_wait3A_565 = tpu.memref_slice %arg10[%dma_wait3A_560, %dma_wait3A_563, %dma_wait3A_564] : memref<4x128x64xf32, #tpu.memory_space<vmem>> -> memref<1x56x64xf32, #tpu.memory_space<vmem>>
      %dma_wait3A_566 = tpu.memref_squeeze %dma_wait3A_565 : memref<1x56x64xf32, #tpu.memory_space<vmem>> -> memref<56x64xf32, #tpu.memory_space<vmem>>
      %dma_wait3A_567 = arith.constant 0 : i32
      %dma_wait3A_568 = arith.constant 0 : i32
      %dma_wait3A_569 = tpu.memref_slice %arg11[%arg1, %dma_wait3A_561, %dma_wait3A_562, %dma_wait3A_567, %dma_wait3A_568] : memref<16x2x2x56x64xf32, #tpu.memory_space<vmem_shared>> -> memref<1x1x1x56x64xf32, #tpu.memory_space<vmem_shared>>
      %dma_wait3A_570 = tpu.memref_squeeze %dma_wait3A_569 : memref<1x1x1x56x64xf32, #tpu.memory_space<vmem_shared>> -> memref<56x64xf32, #tpu.memory_space<vmem_shared>>
      %dma_wait3A_571 = arith.constant 0 : i32
      %dma_wait3A_572 = arith.constant 0 : i32
      %dma_wait3A_573 = tpu.memref_slice %arg11[%arg1, %dma_wait3A_561, %dma_wait3A_562, %dma_wait3A_571, %dma_wait3A_572] : memref<16x2x2x56x64xf32, #tpu.memory_space<vmem_shared>> -> memref<1x1x1x56x64xf32, #tpu.memory_space<vmem_shared>>
      %dma_wait3A_574 = tpu.memref_squeeze %dma_wait3A_573 : memref<1x1x1x56x64xf32, #tpu.memory_space<vmem_shared>> -> memref<56x64xf32, #tpu.memory_space<vmem_shared>>
      %dma_wait3A_575 = arith.constant 72 : i32
      %dma_wait3A_576 = arith.constant 0 : i32
      %dma_wait3A_577 = tpu.memref_slice %arg10[%dma_wait3A_560, %dma_wait3A_575, %dma_wait3A_576] : memref<4x128x64xf32, #tpu.memory_space<vmem>> -> memref<1x56x64xf32, #tpu.memory_space<vmem>>
      %dma_wait3A_578 = tpu.memref_squeeze %dma_wait3A_577 : memref<1x56x64xf32, #tpu.memory_space<vmem>> -> memref<56x64xf32, #tpu.memory_space<vmem>>
      tpu.wait_dma2 semaphore(%arg13 : memref<!tpu.dma_semaphore, #tpu.memory_space<semaphore_mem>>) src(%dma_wait3A_578 : memref<56x64xf32, #tpu.memory_space<vmem>>) dst(%dma_wait3A_574 : memref<56x64xf32, #tpu.memory_space<vmem_shared>>)
      %add3A_579 = arith.constant 72 : i32
      %add3A_580 = arith.addi %mul3A_469, %add3A_579 : i32
      %dma_start3A_581 = arith.constant 1 : i32
      %dma_start3A_582 = arith.constant 0 : i32
      %dma_start3A_583 = arith.constant 0 : i32
      %dma_start3A_584 = tpu.memref_slice %arg6[%add3A_580, %dma_start3A_583] : memref<819200x128xf32, #tpu.memory_space<hbm>> -> memref<56x64xf32, #tpu.memory_space<hbm>>
      %dma_start3A_585 = arith.constant 0 : i32
      %dma_start3A_586 = arith.constant 0 : i32
      %dma_start3A_587 = tpu.memref_slice %arg11[%arg1, %dma_start3A_581, %dma_start3A_582, %dma_start3A_585, %dma_start3A_586] : memref<16x2x2x56x64xf32, #tpu.memory_space<vmem_shared>> -> memref<1x1x1x56x64xf32, #tpu.memory_space<vmem_shared>>
      %dma_start3A_588 = tpu.memref_squeeze %dma_start3A_587 : memref<1x1x1x56x64xf32, #tpu.memory_space<vmem_shared>> -> memref<56x64xf32, #tpu.memory_space<vmem_shared>>
      tpu.enqueue_dma source(%dma_start3A_588 : memref<56x64xf32, #tpu.memory_space<vmem_shared>>) target(%dma_start3A_584 : memref<56x64xf32, #tpu.memory_space<hbm>>) target_semaphore(%arg15 : memref<!tpu.dma_semaphore, #tpu.memory_space<semaphore_mem>>)
      %add3A_589 = arith.constant 72 : i32
      %add3A_590 = arith.addi %mul3A_469, %add3A_589 : i32
      %dma_start3A_591 = arith.constant 1 : i32
      %dma_start3A_592 = arith.constant 1 : i32
      %dma_start3A_593 = arith.constant 64 : i32
      %dma_start3A_594 = tpu.memref_slice %arg6[%add3A_590, %dma_start3A_593] : memref<819200x128xf32, #tpu.memory_space<hbm>> -> memref<56x64xf32, #tpu.memory_space<hbm>>
      %dma_start3A_595 = arith.constant 0 : i32
      %dma_start3A_596 = arith.constant 0 : i32
      %dma_start3A_597 = tpu.memref_slice %arg11[%arg1, %dma_start3A_591, %dma_start3A_592, %dma_start3A_595, %dma_start3A_596] : memref<16x2x2x56x64xf32, #tpu.memory_space<vmem_shared>> -> memref<1x1x1x56x64xf32, #tpu.memory_space<vmem_shared>>
      %dma_start3A_598 = tpu.memref_squeeze %dma_start3A_597 : memref<1x1x1x56x64xf32, #tpu.memory_space<vmem_shared>> -> memref<56x64xf32, #tpu.memory_space<vmem_shared>>
      tpu.enqueue_dma source(%dma_start3A_598 : memref<56x64xf32, #tpu.memory_space<vmem_shared>>) target(%dma_start3A_594 : memref<56x64xf32, #tpu.memory_space<hbm>>) target_semaphore(%arg15 : memref<!tpu.dma_semaphore, #tpu.memory_space<semaphore_mem>>)
      %dma_wait3A_599 = arith.constant 2 : i32
      %dma_wait3A_600 = arith.constant 0 : i32
      %dma_wait3A_601 = arith.constant 0 : i32
      %dma_wait3A_602 = tpu.memref_slice %arg9[%dma_wait3A_599, %dma_wait3A_600, %dma_wait3A_601] : memref<4x128x64xf32, #tpu.memory_space<vmem>> -> memref<1x128x64xf32, #tpu.memory_space<vmem>>
      %dma_wait3A_603 = tpu.memref_squeeze %dma_wait3A_602 : memref<1x128x64xf32, #tpu.memory_space<vmem>> -> memref<128x64xf32, #tpu.memory_space<vmem>>
      %dma_wait3A_604 = arith.constant 0 : i32
      %dma_wait3A_605 = tpu.memref_slice %arg7[%add3A_230, %dma_wait3A_604] : memref<200x128xi32, #tpu.memory_space<vmem>> -> memref<1x128xi32, #tpu.memory_space<vmem>>
      %dma_wait3A_606 = tpu.memref_squeeze %dma_wait3A_605 : memref<1x128xi32, #tpu.memory_space<vmem>> -> memref<128xi32, #tpu.memory_space<vmem>>
      %dma_wait3A_607 = arith.constant 0 : i32
      %dma_wait3A_608 = arith.constant 0 : i32
      %dma_wait3A_609 = tpu.memref_slice %arg4[%dma_wait3A_607, %dma_wait3A_608] : memref<100000x64xf32, #tpu.memory_space<hbm>> -> memref<100000x64xf32, #tpu.memory_space<hbm>>
      tpu.wait_indirect_dma semaphore(%arg12 : memref<!tpu.dma_semaphore, #tpu.memory_space<semaphore_mem>>) src(%dma_wait3A_609 : memref<100000x64xf32, #tpu.memory_space<hbm>>) dst(%dma_wait3A_603 : memref<128x64xf32, #tpu.memory_space<vmem>>)
      %dma_wait3A_610 = arith.constant 2 : i32
      %dma_wait3A_611 = arith.constant 0 : i32
      %dma_wait3A_612 = arith.constant 0 : i32
      %dma_wait3A_613 = tpu.memref_slice %arg10[%dma_wait3A_610, %dma_wait3A_611, %dma_wait3A_612] : memref<4x128x64xf32, #tpu.memory_space<vmem>> -> memref<1x128x64xf32, #tpu.memory_space<vmem>>
      %dma_wait3A_614 = tpu.memref_squeeze %dma_wait3A_613 : memref<1x128x64xf32, #tpu.memory_space<vmem>> -> memref<128x64xf32, #tpu.memory_space<vmem>>
      %dma_wait3A_615 = arith.constant 0 : i32
      %dma_wait3A_616 = tpu.memref_slice %arg8[%add3A_230, %dma_wait3A_615] : memref<200x128xi32, #tpu.memory_space<vmem>> -> memref<1x128xi32, #tpu.memory_space<vmem>>
      %dma_wait3A_617 = tpu.memref_squeeze %dma_wait3A_616 : memref<1x128xi32, #tpu.memory_space<vmem>> -> memref<128xi32, #tpu.memory_space<vmem>>
      %dma_wait3A_618 = arith.constant 0 : i32
      %dma_wait3A_619 = arith.constant 0 : i32
      %dma_wait3A_620 = tpu.memref_slice %arg5[%dma_wait3A_618, %dma_wait3A_619] : memref<100000x64xf32, #tpu.memory_space<hbm>> -> memref<100000x64xf32, #tpu.memory_space<hbm>>
      tpu.wait_indirect_dma semaphore(%arg12 : memref<!tpu.dma_semaphore, #tpu.memory_space<semaphore_mem>>) src(%dma_wait3A_620 : memref<100000x64xf32, #tpu.memory_space<hbm>>) dst(%dma_wait3A_614 : memref<128x64xf32, #tpu.memory_space<vmem>>)
      %mul3A_621 = arith.constant 4 : i32
      %mul3A_622 = arith.muli %scan3A_163, %mul3A_621 : i32
      %add3A_623 = arith.addi %mul3A_2, %mul3A_622 : i32
      %add3A_624 = arith.constant 2 : i32
      %add3A_625 = arith.addi %add3A_623, %add3A_624 : i32
      %mul3A_626 = arith.constant 128 : i32
      %mul3A_627 = arith.muli %add3A_625, %mul3A_626 : i32
      %dma_start3A_628 = arith.constant 2 : i32
      %dma_start3A_629 = arith.constant 0 : i32
      %dma_start3A_630 = arith.constant 0 : i32
      %dma_start3A_631 = tpu.memref_slice %arg9[%dma_start3A_628, %dma_start3A_629, %dma_start3A_630] : memref<4x128x64xf32, #tpu.memory_space<vmem>> -> memref<1x72x64xf32, #tpu.memory_space<vmem>>
      %dma_start3A_632 = tpu.memref_squeeze %dma_start3A_631 : memref<1x72x64xf32, #tpu.memory_space<vmem>> -> memref<72x64xf32, #tpu.memory_space<vmem>>
      %dma_start3A_633 = arith.constant 0 : i32
      %dma_start3A_634 = tpu.memref_slice %arg6[%mul3A_627, %dma_start3A_633] : memref<819200x128xf32, #tpu.memory_space<hbm>> -> memref<72x64xf32, #tpu.memory_space<hbm>>
      %dma_start3A_635 = arith.constant 0 : i32
      %dma_start3A_636 = tpu.memref_slice %arg6[%mul3A_627, %dma_start3A_635] : memref<819200x128xf32, #tpu.memory_space<hbm>> -> memref<72x64xf32, #tpu.memory_space<hbm>>
      %dma_start3A_637 = arith.constant 0 : i32
      %dma_start3A_638 = arith.constant 0 : i32
      %dma_start3A_639 = tpu.memref_slice %arg9[%dma_start3A_628, %dma_start3A_637, %dma_start3A_638] : memref<4x128x64xf32, #tpu.memory_space<vmem>> -> memref<1x72x64xf32, #tpu.memory_space<vmem>>
      %dma_start3A_640 = tpu.memref_squeeze %dma_start3A_639 : memref<1x72x64xf32, #tpu.memory_space<vmem>> -> memref<72x64xf32, #tpu.memory_space<vmem>>
      tpu.enqueue_dma source(%dma_start3A_640 : memref<72x64xf32, #tpu.memory_space<vmem>>) target(%dma_start3A_636 : memref<72x64xf32, #tpu.memory_space<hbm>>) target_semaphore(%arg18 : memref<!tpu.dma_semaphore, #tpu.memory_space<semaphore_mem>>)
      %dma_start3A_641 = arith.constant 2 : i32
      %dma_start3A_642 = arith.constant 0 : i32
      %dma_start3A_643 = arith.constant 0 : i32
      %dma_start3A_644 = tpu.memref_slice %arg10[%dma_start3A_641, %dma_start3A_642, %dma_start3A_643] : memref<4x128x64xf32, #tpu.memory_space<vmem>> -> memref<1x72x64xf32, #tpu.memory_space<vmem>>
      %dma_start3A_645 = tpu.memref_squeeze %dma_start3A_644 : memref<1x72x64xf32, #tpu.memory_space<vmem>> -> memref<72x64xf32, #tpu.memory_space<vmem>>
      %dma_start3A_646 = arith.constant 64 : i32
      %dma_start3A_647 = tpu.memref_slice %arg6[%mul3A_627, %dma_start3A_646] : memref<819200x128xf32, #tpu.memory_space<hbm>> -> memref<72x64xf32, #tpu.memory_space<hbm>>
      %dma_start3A_648 = arith.constant 64 : i32
      %dma_start3A_649 = tpu.memref_slice %arg6[%mul3A_627, %dma_start3A_648] : memref<819200x128xf32, #tpu.memory_space<hbm>> -> memref<72x64xf32, #tpu.memory_space<hbm>>
      %dma_start3A_650 = arith.constant 0 : i32
      %dma_start3A_651 = arith.constant 0 : i32
      %dma_start3A_652 = tpu.memref_slice %arg10[%dma_start3A_641, %dma_start3A_650, %dma_start3A_651] : memref<4x128x64xf32, #tpu.memory_space<vmem>> -> memref<1x72x64xf32, #tpu.memory_space<vmem>>
      %dma_start3A_653 = tpu.memref_squeeze %dma_start3A_652 : memref<1x72x64xf32, #tpu.memory_space<vmem>> -> memref<72x64xf32, #tpu.memory_space<vmem>>
      tpu.enqueue_dma source(%dma_start3A_653 : memref<72x64xf32, #tpu.memory_space<vmem>>) target(%dma_start3A_649 : memref<72x64xf32, #tpu.memory_space<hbm>>) target_semaphore(%arg18 : memref<!tpu.dma_semaphore, #tpu.memory_space<semaphore_mem>>)
      %gt3A_654 = arith.constant 0 : i32
      %gt3A_655 = arith.cmpi sgt, %scan3A_163, %gt3A_654 : i32
      %or3A_656 = arith.constant true
      %or3A_657 = arith.ori %gt3A_655, %or3A_656 : i1
      %convert_element_type3A_658 = arith.extui %or3A_657 : i1 to i32
      %cond3A_659 = arith.constant 0 : i32
      %cond3A_660 = arith.cmpi ne, %convert_element_type3A_658, %cond3A_659 : i32
      scf.if %cond3A_660 {
        %dma_wait3A_915 = arith.constant 0 : i32
        %dma_wait3A_916 = arith.constant 0 : i32
        %dma_wait3A_917 = arith.constant 0 : i32
        %dma_wait3A_918 = arith.constant 0 : i32
        %dma_wait3A_919 = tpu.memref_slice %arg6[%dma_wait3A_917, %dma_wait3A_918] : memref<819200x128xf32, #tpu.memory_space<hbm>> -> memref<56x64xf32, #tpu.memory_space<hbm>>
        %dma_wait3A_920 = arith.constant 0 : i32
        %dma_wait3A_921 = arith.constant 0 : i32
        %dma_wait3A_922 = tpu.memref_slice %arg11[%arg1, %dma_wait3A_915, %dma_wait3A_916, %dma_wait3A_920, %dma_wait3A_921] : memref<16x2x2x56x64xf32, #tpu.memory_space<vmem_shared>> -> memref<1x1x1x56x64xf32, #tpu.memory_space<vmem_shared>>
        %dma_wait3A_923 = tpu.memref_squeeze %dma_wait3A_922 : memref<1x1x1x56x64xf32, #tpu.memory_space<vmem_shared>> -> memref<56x64xf32, #tpu.memory_space<vmem_shared>>
        tpu.wait_dma2 semaphore(%arg14 : memref<!tpu.dma_semaphore, #tpu.memory_space<semaphore_mem>>) src(%dma_wait3A_923 : memref<56x64xf32, #tpu.memory_space<vmem_shared>>) dst(%dma_wait3A_919 : memref<56x64xf32, #tpu.memory_space<hbm>>)
        %dma_wait3A_924 = arith.constant 0 : i32
        %dma_wait3A_925 = arith.constant 1 : i32
        %dma_wait3A_926 = arith.constant 0 : i32
        %dma_wait3A_927 = arith.constant 64 : i32
        %dma_wait3A_928 = tpu.memref_slice %arg6[%dma_wait3A_926, %dma_wait3A_927] : memref<819200x128xf32, #tpu.memory_space<hbm>> -> memref<56x64xf32, #tpu.memory_space<hbm>>
        %dma_wait3A_929 = arith.constant 0 : i32
        %dma_wait3A_930 = arith.constant 0 : i32
        %dma_wait3A_931 = tpu.memref_slice %arg11[%arg1, %dma_wait3A_924, %dma_wait3A_925, %dma_wait3A_929, %dma_wait3A_930] : memref<16x2x2x56x64xf32, #tpu.memory_space<vmem_shared>> -> memref<1x1x1x56x64xf32, #tpu.memory_space<vmem_shared>>
        %dma_wait3A_932 = tpu.memref_squeeze %dma_wait3A_931 : memref<1x1x1x56x64xf32, #tpu.memory_space<vmem_shared>> -> memref<56x64xf32, #tpu.memory_space<vmem_shared>>
        tpu.wait_dma2 semaphore(%arg14 : memref<!tpu.dma_semaphore, #tpu.memory_space<semaphore_mem>>) src(%dma_wait3A_932 : memref<56x64xf32, #tpu.memory_space<vmem_shared>>) dst(%dma_wait3A_928 : memref<56x64xf32, #tpu.memory_space<hbm>>)
      } else {
      }
      %dma_start3A_661 = arith.constant 2 : i32
      %dma_start3A_662 = arith.constant 0 : i32
      %dma_start3A_663 = arith.constant 0 : i32
      %dma_start3A_664 = arith.constant 72 : i32
      %dma_start3A_665 = arith.constant 0 : i32
      %dma_start3A_666 = tpu.memref_slice %arg9[%dma_start3A_661, %dma_start3A_664, %dma_start3A_665] : memref<4x128x64xf32, #tpu.memory_space<vmem>> -> memref<1x56x64xf32, #tpu.memory_space<vmem>>
      %dma_start3A_667 = tpu.memref_squeeze %dma_start3A_666 : memref<1x56x64xf32, #tpu.memory_space<vmem>> -> memref<56x64xf32, #tpu.memory_space<vmem>>
      %dma_start3A_668 = arith.constant 0 : i32
      %dma_start3A_669 = arith.constant 0 : i32
      %dma_start3A_670 = tpu.memref_slice %arg11[%arg1, %dma_start3A_662, %dma_start3A_663, %dma_start3A_668, %dma_start3A_669] : memref<16x2x2x56x64xf32, #tpu.memory_space<vmem_shared>> -> memref<1x1x1x56x64xf32, #tpu.memory_space<vmem_shared>>
      %dma_start3A_671 = tpu.memref_squeeze %dma_start3A_670 : memref<1x1x1x56x64xf32, #tpu.memory_space<vmem_shared>> -> memref<56x64xf32, #tpu.memory_space<vmem_shared>>
      %dma_start3A_672 = arith.constant 0 : i32
      %dma_start3A_673 = arith.constant 0 : i32
      %dma_start3A_674 = tpu.memref_slice %arg11[%arg1, %dma_start3A_662, %dma_start3A_663, %dma_start3A_672, %dma_start3A_673] : memref<16x2x2x56x64xf32, #tpu.memory_space<vmem_shared>> -> memref<1x1x1x56x64xf32, #tpu.memory_space<vmem_shared>>
      %dma_start3A_675 = tpu.memref_squeeze %dma_start3A_674 : memref<1x1x1x56x64xf32, #tpu.memory_space<vmem_shared>> -> memref<56x64xf32, #tpu.memory_space<vmem_shared>>
      %dma_start3A_676 = arith.constant 72 : i32
      %dma_start3A_677 = arith.constant 0 : i32
      %dma_start3A_678 = tpu.memref_slice %arg9[%dma_start3A_661, %dma_start3A_676, %dma_start3A_677] : memref<4x128x64xf32, #tpu.memory_space<vmem>> -> memref<1x56x64xf32, #tpu.memory_space<vmem>>
      %dma_start3A_679 = tpu.memref_squeeze %dma_start3A_678 : memref<1x56x64xf32, #tpu.memory_space<vmem>> -> memref<56x64xf32, #tpu.memory_space<vmem>>
      tpu.enqueue_dma source(%dma_start3A_679 : memref<56x64xf32, #tpu.memory_space<vmem>>) target(%dma_start3A_675 : memref<56x64xf32, #tpu.memory_space<vmem_shared>>) target_semaphore(%arg13 : memref<!tpu.dma_semaphore, #tpu.memory_space<semaphore_mem>>)
      %dma_start3A_680 = arith.constant 2 : i32
      %dma_start3A_681 = arith.constant 0 : i32
      %dma_start3A_682 = arith.constant 1 : i32
      %dma_start3A_683 = arith.constant 72 : i32
      %dma_start3A_684 = arith.constant 0 : i32
      %dma_start3A_685 = tpu.memref_slice %arg10[%dma_start3A_680, %dma_start3A_683, %dma_start3A_684] : memref<4x128x64xf32, #tpu.memory_space<vmem>> -> memref<1x56x64xf32, #tpu.memory_space<vmem>>
      %dma_start3A_686 = tpu.memref_squeeze %dma_start3A_685 : memref<1x56x64xf32, #tpu.memory_space<vmem>> -> memref<56x64xf32, #tpu.memory_space<vmem>>
      %dma_start3A_687 = arith.constant 0 : i32
      %dma_start3A_688 = arith.constant 0 : i32
      %dma_start3A_689 = tpu.memref_slice %arg11[%arg1, %dma_start3A_681, %dma_start3A_682, %dma_start3A_687, %dma_start3A_688] : memref<16x2x2x56x64xf32, #tpu.memory_space<vmem_shared>> -> memref<1x1x1x56x64xf32, #tpu.memory_space<vmem_shared>>
      %dma_start3A_690 = tpu.memref_squeeze %dma_start3A_689 : memref<1x1x1x56x64xf32, #tpu.memory_space<vmem_shared>> -> memref<56x64xf32, #tpu.memory_space<vmem_shared>>
      %dma_start3A_691 = arith.constant 0 : i32
      %dma_start3A_692 = arith.constant 0 : i32
      %dma_start3A_693 = tpu.memref_slice %arg11[%arg1, %dma_start3A_681, %dma_start3A_682, %dma_start3A_691, %dma_start3A_692] : memref<16x2x2x56x64xf32, #tpu.memory_space<vmem_shared>> -> memref<1x1x1x56x64xf32, #tpu.memory_space<vmem_shared>>
      %dma_start3A_694 = tpu.memref_squeeze %dma_start3A_693 : memref<1x1x1x56x64xf32, #tpu.memory_space<vmem_shared>> -> memref<56x64xf32, #tpu.memory_space<vmem_shared>>
      %dma_start3A_695 = arith.constant 72 : i32
      %dma_start3A_696 = arith.constant 0 : i32
      %dma_start3A_697 = tpu.memref_slice %arg10[%dma_start3A_680, %dma_start3A_695, %dma_start3A_696] : memref<4x128x64xf32, #tpu.memory_space<vmem>> -> memref<1x56x64xf32, #tpu.memory_space<vmem>>
      %dma_start3A_698 = tpu.memref_squeeze %dma_start3A_697 : memref<1x56x64xf32, #tpu.memory_space<vmem>> -> memref<56x64xf32, #tpu.memory_space<vmem>>
      tpu.enqueue_dma source(%dma_start3A_698 : memref<56x64xf32, #tpu.memory_space<vmem>>) target(%dma_start3A_694 : memref<56x64xf32, #tpu.memory_space<vmem_shared>>) target_semaphore(%arg13 : memref<!tpu.dma_semaphore, #tpu.memory_space<semaphore_mem>>)
      %dma_wait3A_699 = arith.constant 2 : i32
      %dma_wait3A_700 = arith.constant 0 : i32
      %dma_wait3A_701 = arith.constant 0 : i32
      %dma_wait3A_702 = arith.constant 72 : i32
      %dma_wait3A_703 = arith.constant 0 : i32
      %dma_wait3A_704 = tpu.memref_slice %arg9[%dma_wait3A_699, %dma_wait3A_702, %dma_wait3A_703] : memref<4x128x64xf32, #tpu.memory_space<vmem>> -> memref<1x56x64xf32, #tpu.memory_space<vmem>>
      %dma_wait3A_705 = tpu.memref_squeeze %dma_wait3A_704 : memref<1x56x64xf32, #tpu.memory_space<vmem>> -> memref<56x64xf32, #tpu.memory_space<vmem>>
      %dma_wait3A_706 = arith.constant 0 : i32
      %dma_wait3A_707 = arith.constant 0 : i32
      %dma_wait3A_708 = tpu.memref_slice %arg11[%arg1, %dma_wait3A_700, %dma_wait3A_701, %dma_wait3A_706, %dma_wait3A_707] : memref<16x2x2x56x64xf32, #tpu.memory_space<vmem_shared>> -> memref<1x1x1x56x64xf32, #tpu.memory_space<vmem_shared>>
      %dma_wait3A_709 = tpu.memref_squeeze %dma_wait3A_708 : memref<1x1x1x56x64xf32, #tpu.memory_space<vmem_shared>> -> memref<56x64xf32, #tpu.memory_space<vmem_shared>>
      %dma_wait3A_710 = arith.constant 0 : i32
      %dma_wait3A_711 = arith.constant 0 : i32
      %dma_wait3A_712 = tpu.memref_slice %arg11[%arg1, %dma_wait3A_700, %dma_wait3A_701, %dma_wait3A_710, %dma_wait3A_711] : memref<16x2x2x56x64xf32, #tpu.memory_space<vmem_shared>> -> memref<1x1x1x56x64xf32, #tpu.memory_space<vmem_shared>>
      %dma_wait3A_713 = tpu.memref_squeeze %dma_wait3A_712 : memref<1x1x1x56x64xf32, #tpu.memory_space<vmem_shared>> -> memref<56x64xf32, #tpu.memory_space<vmem_shared>>
      %dma_wait3A_714 = arith.constant 72 : i32
      %dma_wait3A_715 = arith.constant 0 : i32
      %dma_wait3A_716 = tpu.memref_slice %arg9[%dma_wait3A_699, %dma_wait3A_714, %dma_wait3A_715] : memref<4x128x64xf32, #tpu.memory_space<vmem>> -> memref<1x56x64xf32, #tpu.memory_space<vmem>>
      %dma_wait3A_717 = tpu.memref_squeeze %dma_wait3A_716 : memref<1x56x64xf32, #tpu.memory_space<vmem>> -> memref<56x64xf32, #tpu.memory_space<vmem>>
      tpu.wait_dma2 semaphore(%arg13 : memref<!tpu.dma_semaphore, #tpu.memory_space<semaphore_mem>>) src(%dma_wait3A_717 : memref<56x64xf32, #tpu.memory_space<vmem>>) dst(%dma_wait3A_713 : memref<56x64xf32, #tpu.memory_space<vmem_shared>>)
      %dma_wait3A_718 = arith.constant 2 : i32
      %dma_wait3A_719 = arith.constant 0 : i32
      %dma_wait3A_720 = arith.constant 1 : i32
      %dma_wait3A_721 = arith.constant 72 : i32
      %dma_wait3A_722 = arith.constant 0 : i32
      %dma_wait3A_723 = tpu.memref_slice %arg10[%dma_wait3A_718, %dma_wait3A_721, %dma_wait3A_722] : memref<4x128x64xf32, #tpu.memory_space<vmem>> -> memref<1x56x64xf32, #tpu.memory_space<vmem>>
      %dma_wait3A_724 = tpu.memref_squeeze %dma_wait3A_723 : memref<1x56x64xf32, #tpu.memory_space<vmem>> -> memref<56x64xf32, #tpu.memory_space<vmem>>
      %dma_wait3A_725 = arith.constant 0 : i32
      %dma_wait3A_726 = arith.constant 0 : i32
      %dma_wait3A_727 = tpu.memref_slice %arg11[%arg1, %dma_wait3A_719, %dma_wait3A_720, %dma_wait3A_725, %dma_wait3A_726] : memref<16x2x2x56x64xf32, #tpu.memory_space<vmem_shared>> -> memref<1x1x1x56x64xf32, #tpu.memory_space<vmem_shared>>
      %dma_wait3A_728 = tpu.memref_squeeze %dma_wait3A_727 : memref<1x1x1x56x64xf32, #tpu.memory_space<vmem_shared>> -> memref<56x64xf32, #tpu.memory_space<vmem_shared>>
      %dma_wait3A_729 = arith.constant 0 : i32
      %dma_wait3A_730 = arith.constant 0 : i32
      %dma_wait3A_731 = tpu.memref_slice %arg11[%arg1, %dma_wait3A_719, %dma_wait3A_720, %dma_wait3A_729, %dma_wait3A_730] : memref<16x2x2x56x64xf32, #tpu.memory_space<vmem_shared>> -> memref<1x1x1x56x64xf32, #tpu.memory_space<vmem_shared>>
      %dma_wait3A_732 = tpu.memref_squeeze %dma_wait3A_731 : memref<1x1x1x56x64xf32, #tpu.memory_space<vmem_shared>> -> memref<56x64xf32, #tpu.memory_space<vmem_shared>>
      %dma_wait3A_733 = arith.constant 72 : i32
      %dma_wait3A_734 = arith.constant 0 : i32
      %dma_wait3A_735 = tpu.memref_slice %arg10[%dma_wait3A_718, %dma_wait3A_733, %dma_wait3A_734] : memref<4x128x64xf32, #tpu.memory_space<vmem>> -> memref<1x56x64xf32, #tpu.memory_space<vmem>>
      %dma_wait3A_736 = tpu.memref_squeeze %dma_wait3A_735 : memref<1x56x64xf32, #tpu.memory_space<vmem>> -> memref<56x64xf32, #tpu.memory_space<vmem>>
      tpu.wait_dma2 semaphore(%arg13 : memref<!tpu.dma_semaphore, #tpu.memory_space<semaphore_mem>>) src(%dma_wait3A_736 : memref<56x64xf32, #tpu.memory_space<vmem>>) dst(%dma_wait3A_732 : memref<56x64xf32, #tpu.memory_space<vmem_shared>>)
      %add3A_737 = arith.constant 72 : i32
      %add3A_738 = arith.addi %mul3A_627, %add3A_737 : i32
      %dma_start3A_739 = arith.constant 0 : i32
      %dma_start3A_740 = arith.constant 0 : i32
      %dma_start3A_741 = arith.constant 0 : i32
      %dma_start3A_742 = tpu.memref_slice %arg6[%add3A_738, %dma_start3A_741] : memref<819200x128xf32, #tpu.memory_space<hbm>> -> memref<56x64xf32, #tpu.memory_space<hbm>>
      %dma_start3A_743 = arith.constant 0 : i32
      %dma_start3A_744 = arith.constant 0 : i32
      %dma_start3A_745 = tpu.memref_slice %arg11[%arg1, %dma_start3A_739, %dma_start3A_740, %dma_start3A_743, %dma_start3A_744] : memref<16x2x2x56x64xf32, #tpu.memory_space<vmem_shared>> -> memref<1x1x1x56x64xf32, #tpu.memory_space<vmem_shared>>
      %dma_start3A_746 = tpu.memref_squeeze %dma_start3A_745 : memref<1x1x1x56x64xf32, #tpu.memory_space<vmem_shared>> -> memref<56x64xf32, #tpu.memory_space<vmem_shared>>
      tpu.enqueue_dma source(%dma_start3A_746 : memref<56x64xf32, #tpu.memory_space<vmem_shared>>) target(%dma_start3A_742 : memref<56x64xf32, #tpu.memory_space<hbm>>) target_semaphore(%arg14 : memref<!tpu.dma_semaphore, #tpu.memory_space<semaphore_mem>>)
      %add3A_747 = arith.constant 72 : i32
      %add3A_748 = arith.addi %mul3A_627, %add3A_747 : i32
      %dma_start3A_749 = arith.constant 0 : i32
      %dma_start3A_750 = arith.constant 1 : i32
      %dma_start3A_751 = arith.constant 64 : i32
      %dma_start3A_752 = tpu.memref_slice %arg6[%add3A_748, %dma_start3A_751] : memref<819200x128xf32, #tpu.memory_space<hbm>> -> memref<56x64xf32, #tpu.memory_space<hbm>>
      %dma_start3A_753 = arith.constant 0 : i32
      %dma_start3A_754 = arith.constant 0 : i32
      %dma_start3A_755 = tpu.memref_slice %arg11[%arg1, %dma_start3A_749, %dma_start3A_750, %dma_start3A_753, %dma_start3A_754] : memref<16x2x2x56x64xf32, #tpu.memory_space<vmem_shared>> -> memref<1x1x1x56x64xf32, #tpu.memory_space<vmem_shared>>
      %dma_start3A_756 = tpu.memref_squeeze %dma_start3A_755 : memref<1x1x1x56x64xf32, #tpu.memory_space<vmem_shared>> -> memref<56x64xf32, #tpu.memory_space<vmem_shared>>
      tpu.enqueue_dma source(%dma_start3A_756 : memref<56x64xf32, #tpu.memory_space<vmem_shared>>) target(%dma_start3A_752 : memref<56x64xf32, #tpu.memory_space<hbm>>) target_semaphore(%arg14 : memref<!tpu.dma_semaphore, #tpu.memory_space<semaphore_mem>>)
      %dma_wait3A_757 = arith.constant 3 : i32
      %dma_wait3A_758 = arith.constant 0 : i32
      %dma_wait3A_759 = arith.constant 0 : i32
      %dma_wait3A_760 = tpu.memref_slice %arg9[%dma_wait3A_757, %dma_wait3A_758, %dma_wait3A_759] : memref<4x128x64xf32, #tpu.memory_space<vmem>> -> memref<1x128x64xf32, #tpu.memory_space<vmem>>
      %dma_wait3A_761 = tpu.memref_squeeze %dma_wait3A_760 : memref<1x128x64xf32, #tpu.memory_space<vmem>> -> memref<128x64xf32, #tpu.memory_space<vmem>>
      %dma_wait3A_762 = arith.constant 0 : i32
      %dma_wait3A_763 = tpu.memref_slice %arg7[%add3A_261, %dma_wait3A_762] : memref<200x128xi32, #tpu.memory_space<vmem>> -> memref<1x128xi32, #tpu.memory_space<vmem>>
      %dma_wait3A_764 = tpu.memref_squeeze %dma_wait3A_763 : memref<1x128xi32, #tpu.memory_space<vmem>> -> memref<128xi32, #tpu.memory_space<vmem>>
      %dma_wait3A_765 = arith.constant 0 : i32
      %dma_wait3A_766 = arith.constant 0 : i32
      %dma_wait3A_767 = tpu.memref_slice %arg4[%dma_wait3A_765, %dma_wait3A_766] : memref<100000x64xf32, #tpu.memory_space<hbm>> -> memref<100000x64xf32, #tpu.memory_space<hbm>>
      tpu.wait_indirect_dma semaphore(%arg12 : memref<!tpu.dma_semaphore, #tpu.memory_space<semaphore_mem>>) src(%dma_wait3A_767 : memref<100000x64xf32, #tpu.memory_space<hbm>>) dst(%dma_wait3A_761 : memref<128x64xf32, #tpu.memory_space<vmem>>)
      %dma_wait3A_768 = arith.constant 3 : i32
      %dma_wait3A_769 = arith.constant 0 : i32
      %dma_wait3A_770 = arith.constant 0 : i32
      %dma_wait3A_771 = tpu.memref_slice %arg10[%dma_wait3A_768, %dma_wait3A_769, %dma_wait3A_770] : memref<4x128x64xf32, #tpu.memory_space<vmem>> -> memref<1x128x64xf32, #tpu.memory_space<vmem>>
      %dma_wait3A_772 = tpu.memref_squeeze %dma_wait3A_771 : memref<1x128x64xf32, #tpu.memory_space<vmem>> -> memref<128x64xf32, #tpu.memory_space<vmem>>
      %dma_wait3A_773 = arith.constant 0 : i32
      %dma_wait3A_774 = tpu.memref_slice %arg8[%add3A_261, %dma_wait3A_773] : memref<200x128xi32, #tpu.memory_space<vmem>> -> memref<1x128xi32, #tpu.memory_space<vmem>>
      %dma_wait3A_775 = tpu.memref_squeeze %dma_wait3A_774 : memref<1x128xi32, #tpu.memory_space<vmem>> -> memref<128xi32, #tpu.memory_space<vmem>>
      %dma_wait3A_776 = arith.constant 0 : i32
      %dma_wait3A_777 = arith.constant 0 : i32
      %dma_wait3A_778 = tpu.memref_slice %arg5[%dma_wait3A_776, %dma_wait3A_777] : memref<100000x64xf32, #tpu.memory_space<hbm>> -> memref<100000x64xf32, #tpu.memory_space<hbm>>
      tpu.wait_indirect_dma semaphore(%arg12 : memref<!tpu.dma_semaphore, #tpu.memory_space<semaphore_mem>>) src(%dma_wait3A_778 : memref<100000x64xf32, #tpu.memory_space<hbm>>) dst(%dma_wait3A_772 : memref<128x64xf32, #tpu.memory_space<vmem>>)
      %mul3A_779 = arith.constant 4 : i32
      %mul3A_780 = arith.muli %scan3A_163, %mul3A_779 : i32
      %add3A_781 = arith.addi %mul3A_2, %mul3A_780 : i32
      %add3A_782 = arith.constant 3 : i32
      %add3A_783 = arith.addi %add3A_781, %add3A_782 : i32
      %mul3A_784 = arith.constant 128 : i32
      %mul3A_785 = arith.muli %add3A_783, %mul3A_784 : i32
      %dma_start3A_786 = arith.constant 3 : i32
      %dma_start3A_787 = arith.constant 0 : i32
      %dma_start3A_788 = arith.constant 0 : i32
      %dma_start3A_789 = tpu.memref_slice %arg9[%dma_start3A_786, %dma_start3A_787, %dma_start3A_788] : memref<4x128x64xf32, #tpu.memory_space<vmem>> -> memref<1x72x64xf32, #tpu.memory_space<vmem>>
      %dma_start3A_790 = tpu.memref_squeeze %dma_start3A_789 : memref<1x72x64xf32, #tpu.memory_space<vmem>> -> memref<72x64xf32, #tpu.memory_space<vmem>>
      %dma_start3A_791 = arith.constant 0 : i32
      %dma_start3A_792 = tpu.memref_slice %arg6[%mul3A_785, %dma_start3A_791] : memref<819200x128xf32, #tpu.memory_space<hbm>> -> memref<72x64xf32, #tpu.memory_space<hbm>>
      %dma_start3A_793 = arith.constant 0 : i32
      %dma_start3A_794 = tpu.memref_slice %arg6[%mul3A_785, %dma_start3A_793] : memref<819200x128xf32, #tpu.memory_space<hbm>> -> memref<72x64xf32, #tpu.memory_space<hbm>>
      %dma_start3A_795 = arith.constant 0 : i32
      %dma_start3A_796 = arith.constant 0 : i32
      %dma_start3A_797 = tpu.memref_slice %arg9[%dma_start3A_786, %dma_start3A_795, %dma_start3A_796] : memref<4x128x64xf32, #tpu.memory_space<vmem>> -> memref<1x72x64xf32, #tpu.memory_space<vmem>>
      %dma_start3A_798 = tpu.memref_squeeze %dma_start3A_797 : memref<1x72x64xf32, #tpu.memory_space<vmem>> -> memref<72x64xf32, #tpu.memory_space<vmem>>
      tpu.enqueue_dma source(%dma_start3A_798 : memref<72x64xf32, #tpu.memory_space<vmem>>) target(%dma_start3A_794 : memref<72x64xf32, #tpu.memory_space<hbm>>) target_semaphore(%arg19 : memref<!tpu.dma_semaphore, #tpu.memory_space<semaphore_mem>>)
      %dma_start3A_799 = arith.constant 3 : i32
      %dma_start3A_800 = arith.constant 0 : i32
      %dma_start3A_801 = arith.constant 0 : i32
      %dma_start3A_802 = tpu.memref_slice %arg10[%dma_start3A_799, %dma_start3A_800, %dma_start3A_801] : memref<4x128x64xf32, #tpu.memory_space<vmem>> -> memref<1x72x64xf32, #tpu.memory_space<vmem>>
      %dma_start3A_803 = tpu.memref_squeeze %dma_start3A_802 : memref<1x72x64xf32, #tpu.memory_space<vmem>> -> memref<72x64xf32, #tpu.memory_space<vmem>>
      %dma_start3A_804 = arith.constant 64 : i32
      %dma_start3A_805 = tpu.memref_slice %arg6[%mul3A_785, %dma_start3A_804] : memref<819200x128xf32, #tpu.memory_space<hbm>> -> memref<72x64xf32, #tpu.memory_space<hbm>>
      %dma_start3A_806 = arith.constant 64 : i32
      %dma_start3A_807 = tpu.memref_slice %arg6[%mul3A_785, %dma_start3A_806] : memref<819200x128xf32, #tpu.memory_space<hbm>> -> memref<72x64xf32, #tpu.memory_space<hbm>>
      %dma_start3A_808 = arith.constant 0 : i32
      %dma_start3A_809 = arith.constant 0 : i32
      %dma_start3A_810 = tpu.memref_slice %arg10[%dma_start3A_799, %dma_start3A_808, %dma_start3A_809] : memref<4x128x64xf32, #tpu.memory_space<vmem>> -> memref<1x72x64xf32, #tpu.memory_space<vmem>>
      %dma_start3A_811 = tpu.memref_squeeze %dma_start3A_810 : memref<1x72x64xf32, #tpu.memory_space<vmem>> -> memref<72x64xf32, #tpu.memory_space<vmem>>
      tpu.enqueue_dma source(%dma_start3A_811 : memref<72x64xf32, #tpu.memory_space<vmem>>) target(%dma_start3A_807 : memref<72x64xf32, #tpu.memory_space<hbm>>) target_semaphore(%arg19 : memref<!tpu.dma_semaphore, #tpu.memory_space<semaphore_mem>>)
      %gt3A_812 = arith.constant 0 : i32
      %gt3A_813 = arith.cmpi sgt, %scan3A_163, %gt3A_812 : i32
      %or3A_814 = arith.constant true
      %or3A_815 = arith.ori %gt3A_813, %or3A_814 : i1
      %convert_element_type3A_816 = arith.extui %or3A_815 : i1 to i32
      %cond3A_817 = arith.constant 0 : i32
      %cond3A_818 = arith.cmpi ne, %convert_element_type3A_816, %cond3A_817 : i32
      scf.if %cond3A_818 {
        %dma_wait3A_915 = arith.constant 1 : i32
        %dma_wait3A_916 = arith.constant 0 : i32
        %dma_wait3A_917 = arith.constant 0 : i32
        %dma_wait3A_918 = arith.constant 0 : i32
        %dma_wait3A_919 = tpu.memref_slice %arg6[%dma_wait3A_917, %dma_wait3A_918] : memref<819200x128xf32, #tpu.memory_space<hbm>> -> memref<56x64xf32, #tpu.memory_space<hbm>>
        %dma_wait3A_920 = arith.constant 0 : i32
        %dma_wait3A_921 = arith.constant 0 : i32
        %dma_wait3A_922 = tpu.memref_slice %arg11[%arg1, %dma_wait3A_915, %dma_wait3A_916, %dma_wait3A_920, %dma_wait3A_921] : memref<16x2x2x56x64xf32, #tpu.memory_space<vmem_shared>> -> memref<1x1x1x56x64xf32, #tpu.memory_space<vmem_shared>>
        %dma_wait3A_923 = tpu.memref_squeeze %dma_wait3A_922 : memref<1x1x1x56x64xf32, #tpu.memory_space<vmem_shared>> -> memref<56x64xf32, #tpu.memory_space<vmem_shared>>
        tpu.wait_dma2 semaphore(%arg15 : memref<!tpu.dma_semaphore, #tpu.memory_space<semaphore_mem>>) src(%dma_wait3A_923 : memref<56x64xf32, #tpu.memory_space<vmem_shared>>) dst(%dma_wait3A_919 : memref<56x64xf32, #tpu.memory_space<hbm>>)
        %dma_wait3A_924 = arith.constant 1 : i32
        %dma_wait3A_925 = arith.constant 1 : i32
        %dma_wait3A_926 = arith.constant 0 : i32
        %dma_wait3A_927 = arith.constant 64 : i32
        %dma_wait3A_928 = tpu.memref_slice %arg6[%dma_wait3A_926, %dma_wait3A_927] : memref<819200x128xf32, #tpu.memory_space<hbm>> -> memref<56x64xf32, #tpu.memory_space<hbm>>
        %dma_wait3A_929 = arith.constant 0 : i32
        %dma_wait3A_930 = arith.constant 0 : i32
        %dma_wait3A_931 = tpu.memref_slice %arg11[%arg1, %dma_wait3A_924, %dma_wait3A_925, %dma_wait3A_929, %dma_wait3A_930] : memref<16x2x2x56x64xf32, #tpu.memory_space<vmem_shared>> -> memref<1x1x1x56x64xf32, #tpu.memory_space<vmem_shared>>
        %dma_wait3A_932 = tpu.memref_squeeze %dma_wait3A_931 : memref<1x1x1x56x64xf32, #tpu.memory_space<vmem_shared>> -> memref<56x64xf32, #tpu.memory_space<vmem_shared>>
        tpu.wait_dma2 semaphore(%arg15 : memref<!tpu.dma_semaphore, #tpu.memory_space<semaphore_mem>>) src(%dma_wait3A_932 : memref<56x64xf32, #tpu.memory_space<vmem_shared>>) dst(%dma_wait3A_928 : memref<56x64xf32, #tpu.memory_space<hbm>>)
      } else {
      }
      %dma_start3A_819 = arith.constant 3 : i32
      %dma_start3A_820 = arith.constant 1 : i32
      %dma_start3A_821 = arith.constant 0 : i32
      %dma_start3A_822 = arith.constant 72 : i32
      %dma_start3A_823 = arith.constant 0 : i32
      %dma_start3A_824 = tpu.memref_slice %arg9[%dma_start3A_819, %dma_start3A_822, %dma_start3A_823] : memref<4x128x64xf32, #tpu.memory_space<vmem>> -> memref<1x56x64xf32, #tpu.memory_space<vmem>>
      %dma_start3A_825 = tpu.memref_squeeze %dma_start3A_824 : memref<1x56x64xf32, #tpu.memory_space<vmem>> -> memref<56x64xf32, #tpu.memory_space<vmem>>
      %dma_start3A_826 = arith.constant 0 : i32
      %dma_start3A_827 = arith.constant 0 : i32
      %dma_start3A_828 = tpu.memref_slice %arg11[%arg1, %dma_start3A_820, %dma_start3A_821, %dma_start3A_826, %dma_start3A_827] : memref<16x2x2x56x64xf32, #tpu.memory_space<vmem_shared>> -> memref<1x1x1x56x64xf32, #tpu.memory_space<vmem_shared>>
      %dma_start3A_829 = tpu.memref_squeeze %dma_start3A_828 : memref<1x1x1x56x64xf32, #tpu.memory_space<vmem_shared>> -> memref<56x64xf32, #tpu.memory_space<vmem_shared>>
      %dma_start3A_830 = arith.constant 0 : i32
      %dma_start3A_831 = arith.constant 0 : i32
      %dma_start3A_832 = tpu.memref_slice %arg11[%arg1, %dma_start3A_820, %dma_start3A_821, %dma_start3A_830, %dma_start3A_831] : memref<16x2x2x56x64xf32, #tpu.memory_space<vmem_shared>> -> memref<1x1x1x56x64xf32, #tpu.memory_space<vmem_shared>>
      %dma_start3A_833 = tpu.memref_squeeze %dma_start3A_832 : memref<1x1x1x56x64xf32, #tpu.memory_space<vmem_shared>> -> memref<56x64xf32, #tpu.memory_space<vmem_shared>>
      %dma_start3A_834 = arith.constant 72 : i32
      %dma_start3A_835 = arith.constant 0 : i32
      %dma_start3A_836 = tpu.memref_slice %arg9[%dma_start3A_819, %dma_start3A_834, %dma_start3A_835] : memref<4x128x64xf32, #tpu.memory_space<vmem>> -> memref<1x56x64xf32, #tpu.memory_space<vmem>>
      %dma_start3A_837 = tpu.memref_squeeze %dma_start3A_836 : memref<1x56x64xf32, #tpu.memory_space<vmem>> -> memref<56x64xf32, #tpu.memory_space<vmem>>
      tpu.enqueue_dma source(%dma_start3A_837 : memref<56x64xf32, #tpu.memory_space<vmem>>) target(%dma_start3A_833 : memref<56x64xf32, #tpu.memory_space<vmem_shared>>) target_semaphore(%arg13 : memref<!tpu.dma_semaphore, #tpu.memory_space<semaphore_mem>>)
      %dma_start3A_838 = arith.constant 3 : i32
      %dma_start3A_839 = arith.constant 1 : i32
      %dma_start3A_840 = arith.constant 1 : i32
      %dma_start3A_841 = arith.constant 72 : i32
      %dma_start3A_842 = arith.constant 0 : i32
      %dma_start3A_843 = tpu.memref_slice %arg10[%dma_start3A_838, %dma_start3A_841, %dma_start3A_842] : memref<4x128x64xf32, #tpu.memory_space<vmem>> -> memref<1x56x64xf32, #tpu.memory_space<vmem>>
      %dma_start3A_844 = tpu.memref_squeeze %dma_start3A_843 : memref<1x56x64xf32, #tpu.memory_space<vmem>> -> memref<56x64xf32, #tpu.memory_space<vmem>>
      %dma_start3A_845 = arith.constant 0 : i32
      %dma_start3A_846 = arith.constant 0 : i32
      %dma_start3A_847 = tpu.memref_slice %arg11[%arg1, %dma_start3A_839, %dma_start3A_840, %dma_start3A_845, %dma_start3A_846] : memref<16x2x2x56x64xf32, #tpu.memory_space<vmem_shared>> -> memref<1x1x1x56x64xf32, #tpu.memory_space<vmem_shared>>
      %dma_start3A_848 = tpu.memref_squeeze %dma_start3A_847 : memref<1x1x1x56x64xf32, #tpu.memory_space<vmem_shared>> -> memref<56x64xf32, #tpu.memory_space<vmem_shared>>
      %dma_start3A_849 = arith.constant 0 : i32
      %dma_start3A_850 = arith.constant 0 : i32
      %dma_start3A_851 = tpu.memref_slice %arg11[%arg1, %dma_start3A_839, %dma_start3A_840, %dma_start3A_849, %dma_start3A_850] : memref<16x2x2x56x64xf32, #tpu.memory_space<vmem_shared>> -> memref<1x1x1x56x64xf32, #tpu.memory_space<vmem_shared>>
      %dma_start3A_852 = tpu.memref_squeeze %dma_start3A_851 : memref<1x1x1x56x64xf32, #tpu.memory_space<vmem_shared>> -> memref<56x64xf32, #tpu.memory_space<vmem_shared>>
      %dma_start3A_853 = arith.constant 72 : i32
      %dma_start3A_854 = arith.constant 0 : i32
      %dma_start3A_855 = tpu.memref_slice %arg10[%dma_start3A_838, %dma_start3A_853, %dma_start3A_854] : memref<4x128x64xf32, #tpu.memory_space<vmem>> -> memref<1x56x64xf32, #tpu.memory_space<vmem>>
      %dma_start3A_856 = tpu.memref_squeeze %dma_start3A_855 : memref<1x56x64xf32, #tpu.memory_space<vmem>> -> memref<56x64xf32, #tpu.memory_space<vmem>>
      tpu.enqueue_dma source(%dma_start3A_856 : memref<56x64xf32, #tpu.memory_space<vmem>>) target(%dma_start3A_852 : memref<56x64xf32, #tpu.memory_space<vmem_shared>>) target_semaphore(%arg13 : memref<!tpu.dma_semaphore, #tpu.memory_space<semaphore_mem>>)
      %dma_wait3A_857 = arith.constant 3 : i32
      %dma_wait3A_858 = arith.constant 1 : i32
      %dma_wait3A_859 = arith.constant 0 : i32
      %dma_wait3A_860 = arith.constant 72 : i32
      %dma_wait3A_861 = arith.constant 0 : i32
      %dma_wait3A_862 = tpu.memref_slice %arg9[%dma_wait3A_857, %dma_wait3A_860, %dma_wait3A_861] : memref<4x128x64xf32, #tpu.memory_space<vmem>> -> memref<1x56x64xf32, #tpu.memory_space<vmem>>
      %dma_wait3A_863 = tpu.memref_squeeze %dma_wait3A_862 : memref<1x56x64xf32, #tpu.memory_space<vmem>> -> memref<56x64xf32, #tpu.memory_space<vmem>>
      %dma_wait3A_864 = arith.constant 0 : i32
      %dma_wait3A_865 = arith.constant 0 : i32
      %dma_wait3A_866 = tpu.memref_slice %arg11[%arg1, %dma_wait3A_858, %dma_wait3A_859, %dma_wait3A_864, %dma_wait3A_865] : memref<16x2x2x56x64xf32, #tpu.memory_space<vmem_shared>> -> memref<1x1x1x56x64xf32, #tpu.memory_space<vmem_shared>>
      %dma_wait3A_867 = tpu.memref_squeeze %dma_wait3A_866 : memref<1x1x1x56x64xf32, #tpu.memory_space<vmem_shared>> -> memref<56x64xf32, #tpu.memory_space<vmem_shared>>
      %dma_wait3A_868 = arith.constant 0 : i32
      %dma_wait3A_869 = arith.constant 0 : i32
      %dma_wait3A_870 = tpu.memref_slice %arg11[%arg1, %dma_wait3A_858, %dma_wait3A_859, %dma_wait3A_868, %dma_wait3A_869] : memref<16x2x2x56x64xf32, #tpu.memory_space<vmem_shared>> -> memref<1x1x1x56x64xf32, #tpu.memory_space<vmem_shared>>
      %dma_wait3A_871 = tpu.memref_squeeze %dma_wait3A_870 : memref<1x1x1x56x64xf32, #tpu.memory_space<vmem_shared>> -> memref<56x64xf32, #tpu.memory_space<vmem_shared>>
      %dma_wait3A_872 = arith.constant 72 : i32
      %dma_wait3A_873 = arith.constant 0 : i32
      %dma_wait3A_874 = tpu.memref_slice %arg9[%dma_wait3A_857, %dma_wait3A_872, %dma_wait3A_873] : memref<4x128x64xf32, #tpu.memory_space<vmem>> -> memref<1x56x64xf32, #tpu.memory_space<vmem>>
      %dma_wait3A_875 = tpu.memref_squeeze %dma_wait3A_874 : memref<1x56x64xf32, #tpu.memory_space<vmem>> -> memref<56x64xf32, #tpu.memory_space<vmem>>
      tpu.wait_dma2 semaphore(%arg13 : memref<!tpu.dma_semaphore, #tpu.memory_space<semaphore_mem>>) src(%dma_wait3A_875 : memref<56x64xf32, #tpu.memory_space<vmem>>) dst(%dma_wait3A_871 : memref<56x64xf32, #tpu.memory_space<vmem_shared>>)
      %dma_wait3A_876 = arith.constant 3 : i32
      %dma_wait3A_877 = arith.constant 1 : i32
      %dma_wait3A_878 = arith.constant 1 : i32
      %dma_wait3A_879 = arith.constant 72 : i32
      %dma_wait3A_880 = arith.constant 0 : i32
      %dma_wait3A_881 = tpu.memref_slice %arg10[%dma_wait3A_876, %dma_wait3A_879, %dma_wait3A_880] : memref<4x128x64xf32, #tpu.memory_space<vmem>> -> memref<1x56x64xf32, #tpu.memory_space<vmem>>
      %dma_wait3A_882 = tpu.memref_squeeze %dma_wait3A_881 : memref<1x56x64xf32, #tpu.memory_space<vmem>> -> memref<56x64xf32, #tpu.memory_space<vmem>>
      %dma_wait3A_883 = arith.constant 0 : i32
      %dma_wait3A_884 = arith.constant 0 : i32
      %dma_wait3A_885 = tpu.memref_slice %arg11[%arg1, %dma_wait3A_877, %dma_wait3A_878, %dma_wait3A_883, %dma_wait3A_884] : memref<16x2x2x56x64xf32, #tpu.memory_space<vmem_shared>> -> memref<1x1x1x56x64xf32, #tpu.memory_space<vmem_shared>>
      %dma_wait3A_886 = tpu.memref_squeeze %dma_wait3A_885 : memref<1x1x1x56x64xf32, #tpu.memory_space<vmem_shared>> -> memref<56x64xf32, #tpu.memory_space<vmem_shared>>
      %dma_wait3A_887 = arith.constant 0 : i32
      %dma_wait3A_888 = arith.constant 0 : i32
      %dma_wait3A_889 = tpu.memref_slice %arg11[%arg1, %dma_wait3A_877, %dma_wait3A_878, %dma_wait3A_887, %dma_wait3A_888] : memref<16x2x2x56x64xf32, #tpu.memory_space<vmem_shared>> -> memref<1x1x1x56x64xf32, #tpu.memory_space<vmem_shared>>
      %dma_wait3A_890 = tpu.memref_squeeze %dma_wait3A_889 : memref<1x1x1x56x64xf32, #tpu.memory_space<vmem_shared>> -> memref<56x64xf32, #tpu.memory_space<vmem_shared>>
      %dma_wait3A_891 = arith.constant 72 : i32
      %dma_wait3A_892 = arith.constant 0 : i32
      %dma_wait3A_893 = tpu.memref_slice %arg10[%dma_wait3A_876, %dma_wait3A_891, %dma_wait3A_892] : memref<4x128x64xf32, #tpu.memory_space<vmem>> -> memref<1x56x64xf32, #tpu.memory_space<vmem>>
      %dma_wait3A_894 = tpu.memref_squeeze %dma_wait3A_893 : memref<1x56x64xf32, #tpu.memory_space<vmem>> -> memref<56x64xf32, #tpu.memory_space<vmem>>
      tpu.wait_dma2 semaphore(%arg13 : memref<!tpu.dma_semaphore, #tpu.memory_space<semaphore_mem>>) src(%dma_wait3A_894 : memref<56x64xf32, #tpu.memory_space<vmem>>) dst(%dma_wait3A_890 : memref<56x64xf32, #tpu.memory_space<vmem_shared>>)
      %add3A_895 = arith.constant 72 : i32
      %add3A_896 = arith.addi %mul3A_785, %add3A_895 : i32
      %dma_start3A_897 = arith.constant 1 : i32
      %dma_start3A_898 = arith.constant 0 : i32
      %dma_start3A_899 = arith.constant 0 : i32
      %dma_start3A_900 = tpu.memref_slice %arg6[%add3A_896, %dma_start3A_899] : memref<819200x128xf32, #tpu.memory_space<hbm>> -> memref<56x64xf32, #tpu.memory_space<hbm>>
      %dma_start3A_901 = arith.constant 0 : i32
      %dma_start3A_902 = arith.constant 0 : i32
      %dma_start3A_903 = tpu.memref_slice %arg11[%arg1, %dma_start3A_897, %dma_start3A_898, %dma_start3A_901, %dma_start3A_902] : memref<16x2x2x56x64xf32, #tpu.memory_space<vmem_shared>> -> memref<1x1x1x56x64xf32, #tpu.memory_space<vmem_shared>>
      %dma_start3A_904 = tpu.memref_squeeze %dma_start3A_903 : memref<1x1x1x56x64xf32, #tpu.memory_space<vmem_shared>> -> memref<56x64xf32, #tpu.memory_space<vmem_shared>>
      tpu.enqueue_dma source(%dma_start3A_904 : memref<56x64xf32, #tpu.memory_space<vmem_shared>>) target(%dma_start3A_900 : memref<56x64xf32, #tpu.memory_space<hbm>>) target_semaphore(%arg15 : memref<!tpu.dma_semaphore, #tpu.memory_space<semaphore_mem>>)
      %add3A_905 = arith.constant 72 : i32
      %add3A_906 = arith.addi %mul3A_785, %add3A_905 : i32
      %dma_start3A_907 = arith.constant 1 : i32
      %dma_start3A_908 = arith.constant 1 : i32
      %dma_start3A_909 = arith.constant 64 : i32
      %dma_start3A_910 = tpu.memref_slice %arg6[%add3A_906, %dma_start3A_909] : memref<819200x128xf32, #tpu.memory_space<hbm>> -> memref<56x64xf32, #tpu.memory_space<hbm>>
      %dma_start3A_911 = arith.constant 0 : i32
      %dma_start3A_912 = arith.constant 0 : i32
      %dma_start3A_913 = tpu.memref_slice %arg11[%arg1, %dma_start3A_907, %dma_start3A_908, %dma_start3A_911, %dma_start3A_912] : memref<16x2x2x56x64xf32, #tpu.memory_space<vmem_shared>> -> memref<1x1x1x56x64xf32, #tpu.memory_space<vmem_shared>>
      %dma_start3A_914 = tpu.memref_squeeze %dma_start3A_913 : memref<1x1x1x56x64xf32, #tpu.memory_space<vmem_shared>> -> memref<56x64xf32, #tpu.memory_space<vmem_shared>>
      tpu.enqueue_dma source(%dma_start3A_914 : memref<56x64xf32, #tpu.memory_space<vmem_shared>>) target(%dma_start3A_910 : memref<56x64xf32, #tpu.memory_space<hbm>>) target_semaphore(%arg15 : memref<!tpu.dma_semaphore, #tpu.memory_space<semaphore_mem>>)
    }
    %scan3A_7 = arith.constant 50 : i32
    %dma_wait3A = arith.constant 0 : i32
    %dma_wait3A_8 = arith.constant 0 : i32
    %dma_wait3A_9 = arith.constant 0 : i32
    %dma_wait3A_10 = tpu.memref_slice %arg9[%dma_wait3A, %dma_wait3A_8, %dma_wait3A_9] : memref<4x128x64xf32, #tpu.memory_space<vmem>> -> memref<1x72x64xf32, #tpu.memory_space<vmem>>
    %dma_wait3A_11 = tpu.memref_squeeze %dma_wait3A_10 : memref<1x72x64xf32, #tpu.memory_space<vmem>> -> memref<72x64xf32, #tpu.memory_space<vmem>>
    %dma_wait3A_12 = arith.constant 0 : i32
    %dma_wait3A_13 = arith.constant 0 : i32
    %dma_wait3A_14 = tpu.memref_slice %arg6[%dma_wait3A_12, %dma_wait3A_13] : memref<819200x128xf32, #tpu.memory_space<hbm>> -> memref<72x64xf32, #tpu.memory_space<hbm>>
    %dma_wait3A_15 = arith.constant 0 : i32
    %dma_wait3A_16 = arith.constant 0 : i32
    %dma_wait3A_17 = tpu.memref_slice %arg6[%dma_wait3A_15, %dma_wait3A_16] : memref<819200x128xf32, #tpu.memory_space<hbm>> -> memref<72x64xf32, #tpu.memory_space<hbm>>
    %dma_wait3A_18 = arith.constant 0 : i32
    %dma_wait3A_19 = arith.constant 0 : i32
    %dma_wait3A_20 = tpu.memref_slice %arg9[%dma_wait3A, %dma_wait3A_18, %dma_wait3A_19] : memref<4x128x64xf32, #tpu.memory_space<vmem>> -> memref<1x72x64xf32, #tpu.memory_space<vmem>>
    %dma_wait3A_21 = tpu.memref_squeeze %dma_wait3A_20 : memref<1x72x64xf32, #tpu.memory_space<vmem>> -> memref<72x64xf32, #tpu.memory_space<vmem>>
    tpu.wait_dma2 semaphore(%arg16 : memref<!tpu.dma_semaphore, #tpu.memory_space<semaphore_mem>>) src(%dma_wait3A_21 : memref<72x64xf32, #tpu.memory_space<vmem>>) dst(%dma_wait3A_17 : memref<72x64xf32, #tpu.memory_space<hbm>>)
    %dma_wait3A_22 = arith.constant 0 : i32
    %dma_wait3A_23 = arith.constant 0 : i32
    %dma_wait3A_24 = arith.constant 0 : i32
    %dma_wait3A_25 = tpu.memref_slice %arg10[%dma_wait3A_22, %dma_wait3A_23, %dma_wait3A_24] : memref<4x128x64xf32, #tpu.memory_space<vmem>> -> memref<1x72x64xf32, #tpu.memory_space<vmem>>
    %dma_wait3A_26 = tpu.memref_squeeze %dma_wait3A_25 : memref<1x72x64xf32, #tpu.memory_space<vmem>> -> memref<72x64xf32, #tpu.memory_space<vmem>>
    %dma_wait3A_27 = arith.constant 0 : i32
    %dma_wait3A_28 = arith.constant 64 : i32
    %dma_wait3A_29 = tpu.memref_slice %arg6[%dma_wait3A_27, %dma_wait3A_28] : memref<819200x128xf32, #tpu.memory_space<hbm>> -> memref<72x64xf32, #tpu.memory_space<hbm>>
    %dma_wait3A_30 = arith.constant 0 : i32
    %dma_wait3A_31 = arith.constant 64 : i32
    %dma_wait3A_32 = tpu.memref_slice %arg6[%dma_wait3A_30, %dma_wait3A_31] : memref<819200x128xf32, #tpu.memory_space<hbm>> -> memref<72x64xf32, #tpu.memory_space<hbm>>
    %dma_wait3A_33 = arith.constant 0 : i32
    %dma_wait3A_34 = arith.constant 0 : i32
    %dma_wait3A_35 = tpu.memref_slice %arg10[%dma_wait3A_22, %dma_wait3A_33, %dma_wait3A_34] : memref<4x128x64xf32, #tpu.memory_space<vmem>> -> memref<1x72x64xf32, #tpu.memory_space<vmem>>
    %dma_wait3A_36 = tpu.memref_squeeze %dma_wait3A_35 : memref<1x72x64xf32, #tpu.memory_space<vmem>> -> memref<72x64xf32, #tpu.memory_space<vmem>>
    tpu.wait_dma2 semaphore(%arg16 : memref<!tpu.dma_semaphore, #tpu.memory_space<semaphore_mem>>) src(%dma_wait3A_36 : memref<72x64xf32, #tpu.memory_space<vmem>>) dst(%dma_wait3A_32 : memref<72x64xf32, #tpu.memory_space<hbm>>)
    %dma_wait3A_37 = arith.constant 1 : i32
    %dma_wait3A_38 = arith.constant 0 : i32
    %dma_wait3A_39 = arith.constant 0 : i32
    %dma_wait3A_40 = tpu.memref_slice %arg9[%dma_wait3A_37, %dma_wait3A_38, %dma_wait3A_39] : memref<4x128x64xf32, #tpu.memory_space<vmem>> -> memref<1x72x64xf32, #tpu.memory_space<vmem>>
    %dma_wait3A_41 = tpu.memref_squeeze %dma_wait3A_40 : memref<1x72x64xf32, #tpu.memory_space<vmem>> -> memref<72x64xf32, #tpu.memory_space<vmem>>
    %dma_wait3A_42 = arith.constant 0 : i32
    %dma_wait3A_43 = arith.constant 0 : i32
    %dma_wait3A_44 = tpu.memref_slice %arg6[%dma_wait3A_42, %dma_wait3A_43] : memref<819200x128xf32, #tpu.memory_space<hbm>> -> memref<72x64xf32, #tpu.memory_space<hbm>>
    %dma_wait3A_45 = arith.constant 0 : i32
    %dma_wait3A_46 = arith.constant 0 : i32
    %dma_wait3A_47 = tpu.memref_slice %arg6[%dma_wait3A_45, %dma_wait3A_46] : memref<819200x128xf32, #tpu.memory_space<hbm>> -> memref<72x64xf32, #tpu.memory_space<hbm>>
    %dma_wait3A_48 = arith.constant 0 : i32
    %dma_wait3A_49 = arith.constant 0 : i32
    %dma_wait3A_50 = tpu.memref_slice %arg9[%dma_wait3A_37, %dma_wait3A_48, %dma_wait3A_49] : memref<4x128x64xf32, #tpu.memory_space<vmem>> -> memref<1x72x64xf32, #tpu.memory_space<vmem>>
    %dma_wait3A_51 = tpu.memref_squeeze %dma_wait3A_50 : memref<1x72x64xf32, #tpu.memory_space<vmem>> -> memref<72x64xf32, #tpu.memory_space<vmem>>
    tpu.wait_dma2 semaphore(%arg17 : memref<!tpu.dma_semaphore, #tpu.memory_space<semaphore_mem>>) src(%dma_wait3A_51 : memref<72x64xf32, #tpu.memory_space<vmem>>) dst(%dma_wait3A_47 : memref<72x64xf32, #tpu.memory_space<hbm>>)
    %dma_wait3A_52 = arith.constant 1 : i32
    %dma_wait3A_53 = arith.constant 0 : i32
    %dma_wait3A_54 = arith.constant 0 : i32
    %dma_wait3A_55 = tpu.memref_slice %arg10[%dma_wait3A_52, %dma_wait3A_53, %dma_wait3A_54] : memref<4x128x64xf32, #tpu.memory_space<vmem>> -> memref<1x72x64xf32, #tpu.memory_space<vmem>>
    %dma_wait3A_56 = tpu.memref_squeeze %dma_wait3A_55 : memref<1x72x64xf32, #tpu.memory_space<vmem>> -> memref<72x64xf32, #tpu.memory_space<vmem>>
    %dma_wait3A_57 = arith.constant 0 : i32
    %dma_wait3A_58 = arith.constant 64 : i32
    %dma_wait3A_59 = tpu.memref_slice %arg6[%dma_wait3A_57, %dma_wait3A_58] : memref<819200x128xf32, #tpu.memory_space<hbm>> -> memref<72x64xf32, #tpu.memory_space<hbm>>
    %dma_wait3A_60 = arith.constant 0 : i32
    %dma_wait3A_61 = arith.constant 64 : i32
    %dma_wait3A_62 = tpu.memref_slice %arg6[%dma_wait3A_60, %dma_wait3A_61] : memref<819200x128xf32, #tpu.memory_space<hbm>> -> memref<72x64xf32, #tpu.memory_space<hbm>>
    %dma_wait3A_63 = arith.constant 0 : i32
    %dma_wait3A_64 = arith.constant 0 : i32
    %dma_wait3A_65 = tpu.memref_slice %arg10[%dma_wait3A_52, %dma_wait3A_63, %dma_wait3A_64] : memref<4x128x64xf32, #tpu.memory_space<vmem>> -> memref<1x72x64xf32, #tpu.memory_space<vmem>>
    %dma_wait3A_66 = tpu.memref_squeeze %dma_wait3A_65 : memref<1x72x64xf32, #tpu.memory_space<vmem>> -> memref<72x64xf32, #tpu.memory_space<vmem>>
    tpu.wait_dma2 semaphore(%arg17 : memref<!tpu.dma_semaphore, #tpu.memory_space<semaphore_mem>>) src(%dma_wait3A_66 : memref<72x64xf32, #tpu.memory_space<vmem>>) dst(%dma_wait3A_62 : memref<72x64xf32, #tpu.memory_space<hbm>>)
    %dma_wait3A_67 = arith.constant 2 : i32
    %dma_wait3A_68 = arith.constant 0 : i32
    %dma_wait3A_69 = arith.constant 0 : i32
    %dma_wait3A_70 = tpu.memref_slice %arg9[%dma_wait3A_67, %dma_wait3A_68, %dma_wait3A_69] : memref<4x128x64xf32, #tpu.memory_space<vmem>> -> memref<1x72x64xf32, #tpu.memory_space<vmem>>
    %dma_wait3A_71 = tpu.memref_squeeze %dma_wait3A_70 : memref<1x72x64xf32, #tpu.memory_space<vmem>> -> memref<72x64xf32, #tpu.memory_space<vmem>>
    %dma_wait3A_72 = arith.constant 0 : i32
    %dma_wait3A_73 = arith.constant 0 : i32
    %dma_wait3A_74 = tpu.memref_slice %arg6[%dma_wait3A_72, %dma_wait3A_73] : memref<819200x128xf32, #tpu.memory_space<hbm>> -> memref<72x64xf32, #tpu.memory_space<hbm>>
    %dma_wait3A_75 = arith.constant 0 : i32
    %dma_wait3A_76 = arith.constant 0 : i32
    %dma_wait3A_77 = tpu.memref_slice %arg6[%dma_wait3A_75, %dma_wait3A_76] : memref<819200x128xf32, #tpu.memory_space<hbm>> -> memref<72x64xf32, #tpu.memory_space<hbm>>
    %dma_wait3A_78 = arith.constant 0 : i32
    %dma_wait3A_79 = arith.constant 0 : i32
    %dma_wait3A_80 = tpu.memref_slice %arg9[%dma_wait3A_67, %dma_wait3A_78, %dma_wait3A_79] : memref<4x128x64xf32, #tpu.memory_space<vmem>> -> memref<1x72x64xf32, #tpu.memory_space<vmem>>
    %dma_wait3A_81 = tpu.memref_squeeze %dma_wait3A_80 : memref<1x72x64xf32, #tpu.memory_space<vmem>> -> memref<72x64xf32, #tpu.memory_space<vmem>>
    tpu.wait_dma2 semaphore(%arg18 : memref<!tpu.dma_semaphore, #tpu.memory_space<semaphore_mem>>) src(%dma_wait3A_81 : memref<72x64xf32, #tpu.memory_space<vmem>>) dst(%dma_wait3A_77 : memref<72x64xf32, #tpu.memory_space<hbm>>)
    %dma_wait3A_82 = arith.constant 2 : i32
    %dma_wait3A_83 = arith.constant 0 : i32
    %dma_wait3A_84 = arith.constant 0 : i32
    %dma_wait3A_85 = tpu.memref_slice %arg10[%dma_wait3A_82, %dma_wait3A_83, %dma_wait3A_84] : memref<4x128x64xf32, #tpu.memory_space<vmem>> -> memref<1x72x64xf32, #tpu.memory_space<vmem>>
    %dma_wait3A_86 = tpu.memref_squeeze %dma_wait3A_85 : memref<1x72x64xf32, #tpu.memory_space<vmem>> -> memref<72x64xf32, #tpu.memory_space<vmem>>
    %dma_wait3A_87 = arith.constant 0 : i32
    %dma_wait3A_88 = arith.constant 64 : i32
    %dma_wait3A_89 = tpu.memref_slice %arg6[%dma_wait3A_87, %dma_wait3A_88] : memref<819200x128xf32, #tpu.memory_space<hbm>> -> memref<72x64xf32, #tpu.memory_space<hbm>>
    %dma_wait3A_90 = arith.constant 0 : i32
    %dma_wait3A_91 = arith.constant 64 : i32
    %dma_wait3A_92 = tpu.memref_slice %arg6[%dma_wait3A_90, %dma_wait3A_91] : memref<819200x128xf32, #tpu.memory_space<hbm>> -> memref<72x64xf32, #tpu.memory_space<hbm>>
    %dma_wait3A_93 = arith.constant 0 : i32
    %dma_wait3A_94 = arith.constant 0 : i32
    %dma_wait3A_95 = tpu.memref_slice %arg10[%dma_wait3A_82, %dma_wait3A_93, %dma_wait3A_94] : memref<4x128x64xf32, #tpu.memory_space<vmem>> -> memref<1x72x64xf32, #tpu.memory_space<vmem>>
    %dma_wait3A_96 = tpu.memref_squeeze %dma_wait3A_95 : memref<1x72x64xf32, #tpu.memory_space<vmem>> -> memref<72x64xf32, #tpu.memory_space<vmem>>
    tpu.wait_dma2 semaphore(%arg18 : memref<!tpu.dma_semaphore, #tpu.memory_space<semaphore_mem>>) src(%dma_wait3A_96 : memref<72x64xf32, #tpu.memory_space<vmem>>) dst(%dma_wait3A_92 : memref<72x64xf32, #tpu.memory_space<hbm>>)
    %dma_wait3A_97 = arith.constant 3 : i32
    %dma_wait3A_98 = arith.constant 0 : i32
    %dma_wait3A_99 = arith.constant 0 : i32
    %dma_wait3A_100 = tpu.memref_slice %arg9[%dma_wait3A_97, %dma_wait3A_98, %dma_wait3A_99] : memref<4x128x64xf32, #tpu.memory_space<vmem>> -> memref<1x72x64xf32, #tpu.memory_space<vmem>>
    %dma_wait3A_101 = tpu.memref_squeeze %dma_wait3A_100 : memref<1x72x64xf32, #tpu.memory_space<vmem>> -> memref<72x64xf32, #tpu.memory_space<vmem>>
    %dma_wait3A_102 = arith.constant 0 : i32
    %dma_wait3A_103 = arith.constant 0 : i32
    %dma_wait3A_104 = tpu.memref_slice %arg6[%dma_wait3A_102, %dma_wait3A_103] : memref<819200x128xf32, #tpu.memory_space<hbm>> -> memref<72x64xf32, #tpu.memory_space<hbm>>
    %dma_wait3A_105 = arith.constant 0 : i32
    %dma_wait3A_106 = arith.constant 0 : i32
    %dma_wait3A_107 = tpu.memref_slice %arg6[%dma_wait3A_105, %dma_wait3A_106] : memref<819200x128xf32, #tpu.memory_space<hbm>> -> memref<72x64xf32, #tpu.memory_space<hbm>>
    %dma_wait3A_108 = arith.constant 0 : i32
    %dma_wait3A_109 = arith.constant 0 : i32
    %dma_wait3A_110 = tpu.memref_slice %arg9[%dma_wait3A_97, %dma_wait3A_108, %dma_wait3A_109] : memref<4x128x64xf32, #tpu.memory_space<vmem>> -> memref<1x72x64xf32, #tpu.memory_space<vmem>>
    %dma_wait3A_111 = tpu.memref_squeeze %dma_wait3A_110 : memref<1x72x64xf32, #tpu.memory_space<vmem>> -> memref<72x64xf32, #tpu.memory_space<vmem>>
    tpu.wait_dma2 semaphore(%arg19 : memref<!tpu.dma_semaphore, #tpu.memory_space<semaphore_mem>>) src(%dma_wait3A_111 : memref<72x64xf32, #tpu.memory_space<vmem>>) dst(%dma_wait3A_107 : memref<72x64xf32, #tpu.memory_space<hbm>>)
    %dma_wait3A_112 = arith.constant 3 : i32
    %dma_wait3A_113 = arith.constant 0 : i32
    %dma_wait3A_114 = arith.constant 0 : i32
    %dma_wait3A_115 = tpu.memref_slice %arg10[%dma_wait3A_112, %dma_wait3A_113, %dma_wait3A_114] : memref<4x128x64xf32, #tpu.memory_space<vmem>> -> memref<1x72x64xf32, #tpu.memory_space<vmem>>
    %dma_wait3A_116 = tpu.memref_squeeze %dma_wait3A_115 : memref<1x72x64xf32, #tpu.memory_space<vmem>> -> memref<72x64xf32, #tpu.memory_space<vmem>>
    %dma_wait3A_117 = arith.constant 0 : i32
    %dma_wait3A_118 = arith.constant 64 : i32
    %dma_wait3A_119 = tpu.memref_slice %arg6[%dma_wait3A_117, %dma_wait3A_118] : memref<819200x128xf32, #tpu.memory_space<hbm>> -> memref<72x64xf32, #tpu.memory_space<hbm>>
    %dma_wait3A_120 = arith.constant 0 : i32
    %dma_wait3A_121 = arith.constant 64 : i32
    %dma_wait3A_122 = tpu.memref_slice %arg6[%dma_wait3A_120, %dma_wait3A_121] : memref<819200x128xf32, #tpu.memory_space<hbm>> -> memref<72x64xf32, #tpu.memory_space<hbm>>
    %dma_wait3A_123 = arith.constant 0 : i32
    %dma_wait3A_124 = arith.constant 0 : i32
    %dma_wait3A_125 = tpu.memref_slice %arg10[%dma_wait3A_112, %dma_wait3A_123, %dma_wait3A_124] : memref<4x128x64xf32, #tpu.memory_space<vmem>> -> memref<1x72x64xf32, #tpu.memory_space<vmem>>
    %dma_wait3A_126 = tpu.memref_squeeze %dma_wait3A_125 : memref<1x72x64xf32, #tpu.memory_space<vmem>> -> memref<72x64xf32, #tpu.memory_space<vmem>>
    tpu.wait_dma2 semaphore(%arg19 : memref<!tpu.dma_semaphore, #tpu.memory_space<semaphore_mem>>) src(%dma_wait3A_126 : memref<72x64xf32, #tpu.memory_space<vmem>>) dst(%dma_wait3A_122 : memref<72x64xf32, #tpu.memory_space<hbm>>)
    %dma_wait3A_127 = arith.constant 0 : i32
    %dma_wait3A_128 = arith.constant 0 : i32
    %dma_wait3A_129 = arith.constant 0 : i32
    %dma_wait3A_130 = arith.constant 0 : i32
    %dma_wait3A_131 = tpu.memref_slice %arg6[%dma_wait3A_129, %dma_wait3A_130] : memref<819200x128xf32, #tpu.memory_space<hbm>> -> memref<56x64xf32, #tpu.memory_space<hbm>>
    %dma_wait3A_132 = arith.constant 0 : i32
    %dma_wait3A_133 = arith.constant 0 : i32
    %dma_wait3A_134 = tpu.memref_slice %arg11[%arg1, %dma_wait3A_127, %dma_wait3A_128, %dma_wait3A_132, %dma_wait3A_133] : memref<16x2x2x56x64xf32, #tpu.memory_space<vmem_shared>> -> memref<1x1x1x56x64xf32, #tpu.memory_space<vmem_shared>>
    %dma_wait3A_135 = tpu.memref_squeeze %dma_wait3A_134 : memref<1x1x1x56x64xf32, #tpu.memory_space<vmem_shared>> -> memref<56x64xf32, #tpu.memory_space<vmem_shared>>
    tpu.wait_dma2 semaphore(%arg14 : memref<!tpu.dma_semaphore, #tpu.memory_space<semaphore_mem>>) src(%dma_wait3A_135 : memref<56x64xf32, #tpu.memory_space<vmem_shared>>) dst(%dma_wait3A_131 : memref<56x64xf32, #tpu.memory_space<hbm>>)
    %dma_wait3A_136 = arith.constant 0 : i32
    %dma_wait3A_137 = arith.constant 1 : i32
    %dma_wait3A_138 = arith.constant 0 : i32
    %dma_wait3A_139 = arith.constant 64 : i32
    %dma_wait3A_140 = tpu.memref_slice %arg6[%dma_wait3A_138, %dma_wait3A_139] : memref<819200x128xf32, #tpu.memory_space<hbm>> -> memref<56x64xf32, #tpu.memory_space<hbm>>
    %dma_wait3A_141 = arith.constant 0 : i32
    %dma_wait3A_142 = arith.constant 0 : i32
    %dma_wait3A_143 = tpu.memref_slice %arg11[%arg1, %dma_wait3A_136, %dma_wait3A_137, %dma_wait3A_141, %dma_wait3A_142] : memref<16x2x2x56x64xf32, #tpu.memory_space<vmem_shared>> -> memref<1x1x1x56x64xf32, #tpu.memory_space<vmem_shared>>
    %dma_wait3A_144 = tpu.memref_squeeze %dma_wait3A_143 : memref<1x1x1x56x64xf32, #tpu.memory_space<vmem_shared>> -> memref<56x64xf32, #tpu.memory_space<vmem_shared>>
    tpu.wait_dma2 semaphore(%arg14 : memref<!tpu.dma_semaphore, #tpu.memory_space<semaphore_mem>>) src(%dma_wait3A_144 : memref<56x64xf32, #tpu.memory_space<vmem_shared>>) dst(%dma_wait3A_140 : memref<56x64xf32, #tpu.memory_space<hbm>>)
    %dma_wait3A_145 = arith.constant 1 : i32
    %dma_wait3A_146 = arith.constant 0 : i32
    %dma_wait3A_147 = arith.constant 0 : i32
    %dma_wait3A_148 = arith.constant 0 : i32
    %dma_wait3A_149 = tpu.memref_slice %arg6[%dma_wait3A_147, %dma_wait3A_148] : memref<819200x128xf32, #tpu.memory_space<hbm>> -> memref<56x64xf32, #tpu.memory_space<hbm>>
    %dma_wait3A_150 = arith.constant 0 : i32
    %dma_wait3A_151 = arith.constant 0 : i32
    %dma_wait3A_152 = tpu.memref_slice %arg11[%arg1, %dma_wait3A_145, %dma_wait3A_146, %dma_wait3A_150, %dma_wait3A_151] : memref<16x2x2x56x64xf32, #tpu.memory_space<vmem_shared>> -> memref<1x1x1x56x64xf32, #tpu.memory_space<vmem_shared>>
    %dma_wait3A_153 = tpu.memref_squeeze %dma_wait3A_152 : memref<1x1x1x56x64xf32, #tpu.memory_space<vmem_shared>> -> memref<56x64xf32, #tpu.memory_space<vmem_shared>>
    tpu.wait_dma2 semaphore(%arg15 : memref<!tpu.dma_semaphore, #tpu.memory_space<semaphore_mem>>) src(%dma_wait3A_153 : memref<56x64xf32, #tpu.memory_space<vmem_shared>>) dst(%dma_wait3A_149 : memref<56x64xf32, #tpu.memory_space<hbm>>)
    %dma_wait3A_154 = arith.constant 1 : i32
    %dma_wait3A_155 = arith.constant 1 : i32
    %dma_wait3A_156 = arith.constant 0 : i32
    %dma_wait3A_157 = arith.constant 64 : i32
    %dma_wait3A_158 = tpu.memref_slice %arg6[%dma_wait3A_156, %dma_wait3A_157] : memref<819200x128xf32, #tpu.memory_space<hbm>> -> memref<56x64xf32, #tpu.memory_space<hbm>>
    %dma_wait3A_159 = arith.constant 0 : i32
    %dma_wait3A_160 = arith.constant 0 : i32
    %dma_wait3A_161 = tpu.memref_slice %arg11[%arg1, %dma_wait3A_154, %dma_wait3A_155, %dma_wait3A_159, %dma_wait3A_160] : memref<16x2x2x56x64xf32, #tpu.memory_space<vmem_shared>> -> memref<1x1x1x56x64xf32, #tpu.memory_space<vmem_shared>>
    %dma_wait3A_162 = tpu.memref_squeeze %dma_wait3A_161 : memref<1x1x1x56x64xf32, #tpu.memory_space<vmem_shared>> -> memref<56x64xf32, #tpu.memory_space<vmem_shared>>
    tpu.wait_dma2 semaphore(%arg15 : memref<!tpu.dma_semaphore, #tpu.memory_space<semaphore_mem>>) src(%dma_wait3A_162 : memref<56x64xf32, #tpu.memory_space<vmem_shared>>) dst(%dma_wait3A_158 : memref<56x64xf32, #tpu.memory_space<hbm>>)
    return
  }
}

</mosaic_0001>

<sc_bundles>
// kernel: kernel.3.cloned.1.call-start
scs
__scs_entry_jumppad:
0x0: {  	(pc) =	sbr.rel $0x88, $3  }
0x1: {  	(tag) =	ssettag $0x0;
	lr =	simm.s32 $0x1  }
0x2: {  	[smem:$0x3F9D] =	sst lr;
	_ =	strace $0xD0000000  }
0x3: {  	_ = 	snop  }
0x4: {  	_ = 	snop  }
0x5: {  	_ = 	snop  }
0x6: {  	_ = 	snop  }
0x7: {  	_ = 	snop  }
__scs_overlays_trampoline_lowered:
0x8: {  	[smem:$0x3FAC] =	sst s0  }
0x9: {  	[smem:$0x3FAD] =	sst s1  }
0xa: {  	[smem:$0x3FAE] =	sst s2  }
0xb: {  	[smem:$0x3FAF] =	sst s3  }
0xc: {  	[smem:$0x3FB0] =	sst s4  }
0xd: {  	[smem:$0x3FB1] =	sst s5  }
0xe: {  	[smem:$0x3FB2] =	sst s6  }
0xf: {  	[smem:$0x3FB3] =	sst s7  }
0x10: {  	[smem:$0x3FB4] =	sst s8  }
0x11: {  	[smem:$0x3FB5] =	sst s9;
	s0 =	simm.s32 @!p0 $0x0  }
0x12: {  	s1 =	sld [smem:$0x3F9B];
	s0 =	simm.s32 @p0 $0x1  }
0x13: {  	[smem:$0x3FB6] =	sst s0;
	s0 =	simm.s32 @!p1 $0x0  }
0x14: {  	s2 =	sld [smem:$0x3F9A];
	s0 =	simm.s32 @p1 $0x1  }
0x15: {  	[smem:$0x3FB7] =	sst s0;
	s0 =	simm.s32 @!p2 $0x0  }
0x16: {  	s3 =	sld [smem:$0x3FDB];
	s0 =	simm.s32 @p2 $0x1  }
0x17: {  	s4 =	simm.s32 $0x1BF5;
	[smem:$0x3FB9] =	sst s0  }
0x18: {  	s0 =	sld [smem:$0x3F9C];
	_ =	swait.ge [sflag:s4], $0x0  }
0x19: {  	s7 =	sld [smem:$0x3F9D]  }
0x1a: {  	s8 =	sadd.s32 $0xFFFFE003, lr  }
0x1b: {  	s9 =	sadd.s32 $0xFFFFFEF7, lr;
	s5 =	simm.s32 $0xFFFFFFFF;
	p2 =	slt.u32 s8, $0xFFFFF086  }
0x1c: {  	p1 =	slt.u32 s9, $0xF7A;
	s5 =	simm.s32 @!p2 $0x0  }
0x1d: {  	s5 =	simm.s32 @p1 $0x1;
	p0 =	seq.s32 s7, s2  }
0x1e: {  	s7 =	smul.u32 @!p0 $0xF7A, s2;
	p2 =	seq.s32 @!p0 s5, $0x0  }
0x1f: {  	s9 =	smul.u32 $0xF7A, s1;
	s8 =	simm.s32 @!p0 $0x1BF5;
	p2 =	por !p2, p0  }
0x20: {  	[sflag:s8] =	ssyncset.s32 @!p0 $0xFFFFF086;
	s6 =	sadd.s32 @!p0 s3, s7;
	s7 =	simm.s32 @!p0 $0x108  }
0x21: {  	s3 =	sadd.s32 s3, s9;
	s6 =	sadd.s32 @!p0 $0x88, s6;
	s7 =	simm.s32 @p2 $0x1082  }
0x22: {  	[simem:s7], [sflag:s8] =	dma.local @!p0 [hbm:s6], $0xF7A  }
0x23: {  	s9 =	sor.u32 $0xD0000000, s2;
	s6 =	simm.s32 $0x108;
	_ =	swait.ge @!p0 [sflag:s8], $0x0  }
0x24: {  	s3 =	sadd.s32 $0x88, s3;
	s6 =	simm.s32 @!p1 $0x1082;
	[sflag:s4] =	ssyncset.s32 $0xFFFFF086  }
0x25: {  	[simem:s6], [sflag:s4] =	dma.local [hbm:s3], $0xF7A  }
0x26: {  	[smem:$0x3F9D] =	sst s1;
	(tag) =	ssettag s2;
	_ =	strace s9  }
0x27: {  	s1 =	sld [smem:$0x3FAD]  }
0x28: {  	s2 =	sld [smem:$0x3FAE]  }
0x29: {  	s4 =	sld [smem:$0x3FB0]  }
0x2a: {  	p0 =	seq.s32 s5, $0x0;
	s5 =	sld [smem:$0x3FB1]  }
0x2b: {  	s6 =	sld [smem:$0x3FB2]  }
0x2c: {  	s7 =	sld [smem:$0x3FB3]  }
0x2d: {  	s3 =	simm.s32 $0x108;
	s8 =	sld [smem:$0x3FB4]  }
0x2e: {  	s3 =	simm.s32 @!p0 $0x1082;
	s9 =	sld [smem:$0x3FB5]  }
0x2f: {  	lr =	sadd.s32 s0, s3;
	s0 =	sld [smem:$0x3FAC]  }
0x30: {  	s3 =	sld [smem:$0x3FAF]  }
0x31: {  	[smem:$0x3FB8] =	sst s10  }
0x32: {  	s10 =	sld [smem:$0x3FB6];
	_ =	sdelay $0x3  }
0x33: {  	p0 =	seq.s32 s10, $0x1;
	s10 =	sld [smem:$0x3FB8];
	_ =	sdelay $0x3  }
0x34: {  	[smem:$0x3FB8] =	sst s10  }
0x35: {  	s10 =	sld [smem:$0x3FB7];
	_ =	sdelay $0x3  }
0x36: {  	p1 =	seq.s32 s10, $0x1;
	s10 =	sld [smem:$0x3FB8];
	_ =	sdelay $0x3  }
0x37: {  	[smem:$0x3FB8] =	sst s10  }
0x38: {  	s10 =	sld [smem:$0x3FB9]  }
0x39: {  	_ = 	snop;
	(pc) =	sbr.ind lr, $3  }
0x3a: {  	_ = 	snop  }
0x3b: {  	_ = 	snop  }
0x3c: {  	p2 =	seq.s32 s10, $0x1;
	s10 =	sld [smem:$0x3FB8]  }
0x3d: {  	_ =	shalt  }
0x3e: {  	_ =	shalt  }
0x3f: {  	_ =	shalt  }
0x40: {  	_ =	shalt  }
0x41: {  	_ =	shalt  }
0x42: {  	_ =	shalt  }
0x43: {  	_ =	shalt  }
0x44: {  	_ =	shalt  }
0x45: {  	_ =	shalt  }
0x46: {  	_ =	shalt  }
0x47: {  	_ =	shalt  }
0x48: {  	_ =	shalt  }
0x49: {  	_ =	shalt  }
0x4a: {  	_ =	shalt  }
0x4b: {  	_ =	shalt  }
0x4c: {  	_ =	shalt  }
0x4d: {  	_ =	shalt  }
0x4e: {  	_ =	shalt  }
0x4f: {  	_ =	shalt  }
0x50: {  	_ =	shalt  }
0x51: {  	_ =	shalt  }
0x52: {  	_ =	shalt  }
0x53: {  	_ =	shalt  }
0x54: {  	_ =	shalt  }
0x55: {  	_ =	shalt  }
0x56: {  	_ =	shalt  }
0x57: {  	_ =	shalt  }
0x58: {  	_ =	shalt  }
0x59: {  	_ =	shalt  }
0x5a: {  	_ =	shalt  }
0x5b: {  	_ =	shalt  }
0x5c: {  	_ =	shalt  }
0x5d: {  	_ =	shalt  }
0x5e: {  	_ =	shalt  }
0x5f: {  	_ =	shalt  }
0x60: {  	_ =	shalt  }
0x61: {  	_ =	shalt  }
0x62: {  	_ =	shalt  }
0x63: {  	_ =	shalt  }
0x64: {  	_ =	shalt  }
0x65: {  	_ =	shalt  }
0x66: {  	_ =	shalt  }
0x67: {  	_ =	shalt  }
0x68: {  	_ =	shalt  }
0x69: {  	_ =	shalt  }
0x6a: {  	_ =	shalt  }
0x6b: {  	_ =	shalt  }
0x6c: {  	_ =	shalt  }
0x6d: {  	_ =	shalt  }
0x6e: {  	_ =	shalt  }
0x6f: {  	_ =	shalt  }
0x70: {  	_ =	shalt  }
0x71: {  	_ =	shalt  }
0x72: {  	_ =	shalt  }
0x73: {  	_ =	shalt  }
0x74: {  	_ =	shalt  }
0x75: {  	_ =	shalt  }
0x76: {  	_ =	shalt  }
0x77: {  	_ =	shalt  }
0x78: {  	_ =	shalt  }
0x79: {  	_ =	shalt  }
0x7a: {  	_ =	shalt  }
0x7b: {  	_ =	shalt  }
0x7c: {  	_ =	shalt  }
0x7d: {  	_ =	shalt  }
0x7e: {  	_ =	shalt  }
0x7f: {  	_ =	shalt  }
0x80: {  	_ =	shalt  }
0x81: {  	_ =	shalt  }
0x82: {  	_ =	shalt  }
0x83: {  	_ =	shalt  }
0x84: {  	_ =	shalt  }
0x85: {  	_ =	shalt  }
0x86: {  	_ =	shalt  }
0x87: {  	_ =	shalt  }
.Lfunc_end0:
.L_simem_size_0:
called_computation_lowered:
.L_overlay_start_0:
0x88: {  	s2 =	sld [smem:$0x3FD9]  }
0x89: {  	s3 =	sld [smem:$0x3FFE];
	_ =	sdelay $0x1  }
0x8a: {  	s1 =	srdreg.scid  }
0x8b: {  	s0 =	sand.u32 $0x1, s1  }
0x8c: {  	s17 =	sshll.u32 s0, $0xA;
	s2 =	sadd.s32 s3, s2  }
0x8d: {  	s2 =	sadd.s32 s2, s17  }
0x8e: {  	[smem:$0x3FC4] =	sst s2  }
0x8f: {  	_ = 	snop  }
0x90: {  	s2 =	sld [smem:$0x3FD0];
	(tm) =	ssettm $0x1  }
0x91: {  	s18 =	sld [smem:$0x3FFB];
	_ =	sdelay $0x3  }
0x92: {  	_ =	strace s18  }
0x93: {  	s3 =	sld [smem:$0x3FFC];
	_ =	sdelay $0x3  }
0x94: {  	_ =	strace s3  }
0x95: {  	s3 =	sld [smem:$0x3FFD];
	_ =	sdelay $0x3  }
0x96: {  	_ =	strace s3  }
0x97: {  	_ =	strace $0x8FFFFFFF  }
0x98: {  	s19 =	sld [smem:$0x3FDB];
	_ =	sdelay $0x1  }
0x99: {  	s4 =	simm.s32 $_scs_section_size  }
0x9a: {  	s5 =	simm.s32 $_size__tile_overlayer_lowered;
	s6 =	simm.s32 $_tile_overlayer_lowered  }
0x9b: {  	s22 =	simm.s32 $0x1BFF;
	s21 =	sshll.u32 s6, $0x1;
	s3 =	sadd.s32 s4, s19  }
0x9c: {  	s7 =	simm.s32 $0x0;
	s20 =	sshll.u32 s5, $0x1;
	s5 =	sadd.s32 s21, s3  }
0x9d: {  	[timem:s7], [sflag:s22] =	dma.local [hbm:s5], s20  }
0x9e: {  	_ =	swait.ge [sflag:s22], s20  }
0x9f: {  	s4 =	ssub.s32 $0x0, s20;
	[sflag:s22] =	ssyncset.done $0x0  }
0xa0: {  	[sflag:s22] =	ssyncadd.s32 s4;
	_ =	sdelay $0x1  }
0xa1: {  	s23 =	simm.s32 $0x1B8B  }
0xa2: {  	_ =	swait.ge [sflag:s23], $0x1  }
0xa3: {  	[sflag:s23] =	ssyncset.done $0x0  }
0xa4: {  	s25 =	simm.s32 $0x1B8E;
	s24 =	sld [smem:$0x3FFE];
	[sflag:s23] =	ssyncadd.s32 $0xFFFFFFFF  }
0xa5: {  	s26 =	simm.s32 $execute0_lowered;
	[smem:$0x3FD2] =	sst s25  }
0xa6: {  	s5 =	sshll.u32 s26, $0x1;
	_ =	strace $0x80000046;
	[dreg:$0x1] =	wrdreg $0xFFFFFFFF  }
0xa7: {  	s28 =	simm.s32 $_size_execute0_lowered;
	s3 =	sadd.s32 s3, s5;
	[dreg:$0x0] =	wrdreg $0x0  }
0xa8: {  	s5 =	sshll.u32 s28, $0x1;
	[dreg:$0x2] =	wrdreg s3  }
0xa9: {  	[dreg:$0x3] =	wrdreg s5  }
0xaa: {  	[dreg:$0x4] =	wrdreg $0xC0  }
0xab: {  	_ =	task [dreg:s7], $0x5FFFF  }
0xac: {  	[dreg:$0x1] =	wrdreg $0xFFFFFFFF  }
0xad: {  	[dreg:$0x0] =	wrdreg $0x60  }
0xae: {  	[dreg:$0x2] =	wrdreg s24  }
0xaf: {  	[dreg:$0x3] =	wrdreg s2  }
0xb0: {  	[dreg:$0x4] =	wrdreg $0x1C8000  }
0xb1: {  	[dreg:$0x5] =	wrdreg $0x9  }
0xb2: {  	_ =	task.clear_ibuf [dreg:s7], $0x6FFFF;
	_ =	strace $0x90000046  }
0xb3: {  	s29 =	simm.s32 $0x9;
	_ =	strace $0x80000048  }
0xb4: {  	_ =	swait.ge [sflag:s29], $0x1  }
0xb5: {  	[sflag:s29] =	ssyncadd.s32 $0xFFFFFFFF  }
0xb6: {  	_ =	strace $0x90000048  }
0xb7: {  	_ =	sfence  }
0xb8: {  	s30 =	sld [smem:$0x0];
	_ =	sdelay $0x2  }
0xb9: {  	s31 =	sshll.u32 s1, $0xD;
	s1 =	sshrl.u32 s1, $0x2  }
0xba: {  	s3 =	sand.u32 $0x4000, s31;
	s1 =	sadd.s32 s1, s30  }
0xbb: {  	s0 =	sor.u32 s3, s0;
	s1 =	sshll.u32 s1, $0x11  }
0xbc: {  	s0 =	sor.u32 s1, s0  }
0xbd: {  	s0 =	sadd.s32 $0x8F2B, s0  }
0xbe: {  	[sflag:s0] =	ssyncadd.remote.s32 $0x1  }
0xbf: {  	_ =	sfence.sel $0xFFFF  }
0xc0: {  	[dreg:$0x0] =	wrdreg $0xFFFFFFFF;
	(pc) =	sbr.abs _section_cstart, $3  }
0xc1: {  	[dreg:$0x1] =	wrdreg $0xFFFFFFFF  }
0xc2: {  	_ =	task.clear_ibuf [dreg:s7], $0x2FFFF;
	_ =	strace $0x9FFFFFFF  }
0xc3: {  	(tm) =	ssettm $0x7FFFFFFF  }
tec
execute0_lowered:
.L_overlay_start_1:
0x0: {  	(tag) =	ssettag $0x1  }
0x1: {  	s0 =	rddreg [dreg:$0x0]  }
0x2: {  	s1 =	rddreg [dreg:$0x1];
	s2 =	srdreg.scid  }
0x3: {  	s9 =	stileid.u32;
	s5 =	rddreg [dreg:$0x2];
	s4 =	simm.s32 $0x0  }
0x4: {  	s14 =	simm.s32 $0x80;
	s20 =	simm.s32 $0xDA00;
	s21 =	simm.s32 $0x15A00  }
0x5: {  	s22 =	simm.s32 $0xE800;
	s23 =	simm.s32 $0x16800;
	[smem:$0x7FF] =	sst s4  }
0x6: {  	s24 =	simm.s32 $0xFA00;
	_ =	strace $0x80000047;
	[dreg:$0x5] =	wrdreg s20  }
0x7: {  	s25 =	simm.s32 $0x17A00;
	s26 =	simm.s32 $0x11A00;
	[dreg:$0x6] =	wrdreg s21  }
0x8: {  	s29 =	simm.s32 $0x19A00;
	s30 =	simm.s32 $0x13A00;
	[dreg:$0x7] =	wrdreg s22  }
0x9: {  	s31 =	simm.s32 $0x1BA00;
	s28 =	simm.s32 $0x4;
	[dreg:$0x8] =	wrdreg s23  }
0xa: {  	s2 =	sand.u32 $0x1, s2;
	s3 =	sshll.u32 s9, $0x1;
	[dreg:$0x9] =	wrdreg s24  }
0xb: {  	s8 =	smul.u32 $0xE000, s9;
	s4 =	sadd.s32 $0xF5C00, s0;
	[dreg:$0xa] =	wrdreg s25  }
0xc: {  	s9 =	smul.u32 $0xC8000, s9;
	s3 =	sor.u32 s2, s3;
	[dreg:$0xb] =	wrdreg s26  }
0xd: {  	s6 =	ssub.s32 $0x2, s2;
	s2 =	smul.u32 $0x64000, s2;
	[dreg:$0xc] =	wrdreg s29  }
0xe: {  	s21 =	simm.s32 $0x1;
	s22 =	simm.s32 $0x40;
	[dreg:$0xd] =	wrdreg s30  }
0xf: {  	s23 =	simm.s32 $0x2;
	[dreg:$0xe] =	wrdreg s31;
	s3 =	smul.u32 $0xC80, s3  }
0x10: {  	s15 =	sshrl.u32 s6, $0x1;
	s16 =	sshrl.u32 s8, $0x2;
	s1 =	sadd.s32 s9, s1  }
0x11: {  	s1 =	sadd.s32 s2, s1;
	s7 =	sadd.s32 s3, s0;
	s3 =	sadd.s32 $0x32600, s0  }
0x12: {  	s0 =	ssub.s32 s6, s15;
	s6 =	sadd.s32 s16, s5;
	[dreg:$0x4] =	wrdreg s1  }
0x13: {  	s24 =	simm.s32 $0x10;
	s17 =	sadd.s32 $0x600, s7;
	[dreg:$0xf] =	wrdreg s6  }
0x14: {  	s25 =	simm.s32 $0x8;
	s18 =	sadd.s32 $0x19600, s7;
	[dreg:$0x11] =	wrdreg s17  }
0x15: {  	s26 =	simm.s32 $0x3;
	s19 =	sadd.s32 $0xE00, s6;
	[dreg:$0x12] =	wrdreg s18  }
0x16: {  	s1 =	simm.s32 $0x0;
	s0 =	smax.u32 s0, $0x1;
	[dreg:$0x10] =	wrdreg s19  }
0x17: {  	s9 =	sadd.s32 $0x1C00, s6;
	s10 =	sadd.s32 $0x2A00, s6;
	[dreg:$0x13] =	wrdreg s0  }
.LBB2_1:
0x18: {  	[dreg:$0x14] =	wrdreg s1  }
0x19: {  	s0 =	simm.s32 $0x0;
	s18 =	rddreg [dreg:$0x11];
	s2 =	simm.s32 $0x9  }
0x1a: {  	[tilespmem:s0], [sflag:$0x9] =	stream.linear.gather [hbm4b:s18+s0], $0x6400, $0x38;
	v63 =	vld [tilespmem:$0x0]  }
0x1b: {  	_ =	swait.ge [sflag:s2], $0x6400  }
0x1c: {  	[sflag:s2] =	ssyncset.done $0x0  }
0x1d: {  	s5 =	simm.s32 $0x6400;
	s19 =	rddreg [dreg:$0x12];
	[sflag:s2] =	ssyncadd.s32 $0xFFFF9C00  }
0x1e: {  	[tilespmem:s5], [sflag:$0x9] =	stream.linear.gather [hbm4b:s19+s0], $0x6400, $0x38;
	v63 =	vld [tilespmem:$0x0]  }
0x1f: {  	_ =	swait.ge [sflag:s2], $0x6400  }
0x20: {  	p0 =	por $0x1, $0x1;
	[sflag:s2] =	ssyncset.done $0x0  }
0x21: {  	s0 =	simm.s32 @!p0 $0x5;
	[sflag:s2] =	ssyncadd.s32 $0xFFFF9C00  }
0x22: {  	_ =	swait.ge @!p0 [sflag:s0], $0x1200  }
0x23: {  	[sflag:s0] =	ssyncset.done @!p0 $0x0  }
0x24: {  	[sflag:s0] =	ssyncadd.s32 @!p0 $0xFFFFEE00  }
0x25: {  	_ =	swait.ge @!p0 [sflag:s0], $0x1200  }
0x26: {  	[sflag:s0] =	ssyncset.done @!p0 $0x0  }
0x27: {  	s20 =	simm.s32 $0x0;
	s6 =	simm.s32 $0xC800;
	[sflag:s0] =	ssyncadd.s32 @!p0 $0xFFFFEE00  }
0x28: {  	[tilespmem:s6], [sflag:$0x1] =	stream.indirect.gather [hbm4b:s3+s14], $0x40, s20, s14, $0xb8;
	v63 =	vld [tilespmem:$0x0]  }
0x29: {  	s31 =	simm.s32 $0x6400;
	s7 =	simm.s32 $0x14800  }
0x2a: {  	[tilespmem:s7], [sflag:$0x1] =	stream.indirect.gather [hbm4b:s4+s14], $0x40, s31, s14, $0xb8;
	v63 =	vld [tilespmem:$0x0]  }
0x2b: {  	s1 =	simm.s32 @p0 $0xE800;
	s0 =	simm.s32 @p0 $0x80  }
0x2c: {  	[tilespmem:s1], [sflag:$0x1] =	stream.indirect.gather @p0 [hbm4b:s3+s0], $0x40, s0, s0, $0xb8;
	v63 =	vld [tilespmem:$0x0]  }
0x2d: {  	s5 =	simm.s32 @!p0 $0x6;
	s2 =	simm.s32 @p0 $0x16800;
	s1 =	simm.s32 @p0 $0x6480  }
0x2e: {  	[tilespmem:s2], [sflag:$0x1] =	stream.indirect.gather @p0 [hbm4b:s4+s0], $0x40, s1, s0, $0xb8;
	v63 =	vld [tilespmem:$0x0]  }
0x2f: {  	_ =	swait.ge @!p0 [sflag:s5], $0x1200  }
0x30: {  	[sflag:s5] =	ssyncset.done @!p0 $0x0  }
0x31: {  	[sflag:s5] =	ssyncadd.s32 @!p0 $0xFFFFEE00  }
0x32: {  	_ =	swait.ge @!p0 [sflag:s5], $0x1200  }
0x33: {  	s0 =	simm.s32 @!p0 $0x80;
	[sflag:s5] =	ssyncset.done @!p0 $0x0  }
0x34: {  	s1 =	simm.s32 @!p0 $0x80;
	s2 =	simm.s32 @!p0 $0xE800;
	[sflag:s5] =	ssyncadd.s32 @!p0 $0xFFFFEE00  }
0x35: {  	[tilespmem:s2], [sflag:$0x1] =	stream.indirect.gather @!p0 [hbm4b:s3+s1], $0x40, s0, s1, $0xb8;
	v63 =	vld [tilespmem:$0x0]  }
0x36: {  	s5 =	simm.s32 @!p0 $0x7;
	s0 =	simm.s32 @!p0 $0x6480;
	s2 =	simm.s32 @!p0 $0x16800  }
0x37: {  	[tilespmem:s2], [sflag:$0x1] =	stream.indirect.gather @!p0 [hbm4b:s4+s1], $0x40, s0, s1, $0xb8;
	v63 =	vld [tilespmem:$0x0]  }
0x38: {  	_ =	swait.ge @!p0 [sflag:s5], $0x1200  }
0x39: {  	[sflag:s5] =	ssyncset.done @!p0 $0x0  }
0x3a: {  	[sflag:s5] =	ssyncadd.s32 @!p0 $0xFFFFEE00  }
0x3b: {  	_ =	swait.ge @!p0 [sflag:s5], $0x1200  }
0x3c: {  	[sflag:s5] =	ssyncset.done @!p0 $0x0  }
0x3d: {  	s15 =	simm.s32 $0x10800;
	s1 =	simm.s32 $0x100;
	[sflag:s5] =	ssyncadd.s32 @!p0 $0xFFFFEE00  }
0x3e: {  	[tilespmem:s15], [sflag:$0x1] =	stream.indirect.gather [hbm4b:s3+s14], $0x40, s1, s14, $0xb8;
	v63 =	vld [tilespmem:$0x0]  }
0x3f: {  	s16 =	simm.s32 $0x18800;
	s2 =	simm.s32 $0x6500;
	s1 =	simm.s32 @!p0 $0x8  }
0x40: {  	[tilespmem:s16], [sflag:$0x1] =	stream.indirect.gather [hbm4b:s4+s14], $0x40, s2, s14, $0xb8;
	v63 =	vld [tilespmem:$0x0]  }
0x41: {  	_ =	swait.ge @!p0 [sflag:s1], $0x1200  }
0x42: {  	[sflag:s1] =	ssyncset.done @!p0 $0x0  }
0x43: {  	[sflag:s1] =	ssyncadd.s32 @!p0 $0xFFFFEE00  }
0x44: {  	_ =	swait.ge @!p0 [sflag:s1], $0x1200  }
0x45: {  	[sflag:s1] =	ssyncset.done @!p0 $0x0  }
0x46: {  	s17 =	simm.s32 $0x12800;
	s5 =	simm.s32 $0x180;
	[sflag:s1] =	ssyncadd.s32 @!p0 $0xFFFFEE00  }
0x47: {  	[tilespmem:s17], [sflag:$0x1] =	stream.indirect.gather [hbm4b:s3+s14], $0x40, s5, s14, $0xb8;
	v63 =	vld [tilespmem:$0x0]  }
0x48: {  	s8 =	simm.s32 $0x6580;
	s18 =	simm.s32 $0x1A800  }
0x49: {  	[tilespmem:s18], [sflag:$0x1] =	stream.indirect.gather [hbm4b:s4+s14], $0x40, s8, s14, $0xb8;
	v63 =	vld [tilespmem:$0x0]  }
0x4a: {  	_ =	swait.ge [sflag:s21], $0x2000  }
0x4b: {  	[sflag:s21] =	ssyncset.done $0x0  }
0x4c: {  	[sflag:s21] =	ssyncadd.s32 $0xFFFFE000  }
0x4d: {  	_ =	swait.ge [sflag:s21], $0x2000  }
0x4e: {  	s11 =	rddreg [dreg:$0x4];
	[sflag:s21] =	ssyncset.done $0x0  }
0x4f: {  	[sflag:s21] =	ssyncadd.s32 $0xFFFFE000;
	s31 =	sadd.s32 $0x0, s11  }
0x50: {  	[hbm4b:s31+s22] =	stream.strided.scatter [tilespmem:s6], [sflag:$0x5], $0x1200, s14, s22, $0x38;
	v63 =	vld [tilespmem:$0x0]  }
0x51: {  	s1 =	simm.s32 @!p0 $0x3;
	s0 =	sadd.s32 $0x8, s31  }
0x52: {  	[hbm4b:s0+s22] =	stream.strided.scatter [tilespmem:s7], [sflag:$0x5], $0x1200, s14, s22, $0x38;
	v63 =	vld [tilespmem:$0x0]  }
0x53: {  	_ =	swait.ge @!p0 [sflag:s1], $0x1C0  }
0x54: {  	[sflag:s1] =	ssyncset.done @!p0 $0x0  }
0x55: {  	[sflag:s1] =	ssyncadd.s32 @!p0 $0xFFFFFE40  }
0x56: {  	_ =	swait.ge @!p0 [sflag:s1], $0x1C0  }
0x57: {  	s12 =	rddreg [dreg:$0x5]  }
0x58: {  	[sflag:s1] =	ssyncset.done @!p0 $0x0;
	s13 =	rddreg [dreg:$0x6]  }
0x59: {  	s6 =	rddreg [dreg:$0xf];
	[sflag:s1] =	ssyncadd.s32 @!p0 $0xFFFFFE40  }
0x5a: {  	[spmem:s6] =	stream.linear.scatter [tilespmem:s12], [sflag:$0x2], $0xE00, $0x38;
	v63 =	vld [tilespmem:$0x0]  }
0x5b: {  	s8 =	rddreg [dreg:$0x10]  }
0x5c: {  	[spmem:s8] =	stream.linear.scatter [tilespmem:s13], [sflag:$0x2], $0xE00, $0x38;
	v63 =	vld [tilespmem:$0x0]  }
0x5d: {  	_ =	swait.ge [sflag:s23], $0xE00  }
0x5e: {  	[sflag:s23] =	ssyncset.done $0x0  }
0x5f: {  	s19 =	stileid.u32;
	[sflag:s23] =	ssyncadd.s32 $0xFFFFF200  }
0x60: {  	s20 =	sadd.s32 $0x488, s31;
	s11 =	sadd.s32 $0x480, s31;
	_ =	swait.ge [sflag:s23], $0xE00  }
0x61: {  	s0 =	sshrl.u32 s6, $0x3;
	s1 =	sshll.u32 s19, $0x6;
	[sflag:s23] =	ssyncset.done $0x0  }
0x62: {  	s2 =	sor.u32 $0x1C03, s1;
	s13 =	sshrl.u32 s8, $0x3;
	[sflag:s23] =	ssyncadd.s32 $0xFFFFF200  }
0x63: {  	[hbm:s11@s24], [sflag:s2] =	dma.strided [spmem:s0@s25], $0x1C0, s21, $0x8   }
0x64: {  	[hbm:s20@s24], [sflag:s2] =	dma.strided [spmem:s13@s25], $0x1C0, s21, $0x8   }
0x65: {  	_ =	swait.ge [sflag:s21], $0x2000  }
0x66: {  	[sflag:s21] =	ssyncset.done $0x0  }
0x67: {  	[sflag:s21] =	ssyncadd.s32 $0xFFFFE000  }
0x68: {  	_ =	swait.ge [sflag:s21], $0x2000  }
0x69: {  	[sflag:s21] =	ssyncset.done $0x0  }
0x6a: {  	s19 =	sadd.s32 $0x800, s31;
	s12 =	rddreg [dreg:$0x7];
	[sflag:s21] =	ssyncadd.s32 $0xFFFFE000  }
0x6b: {  	[hbm4b:s19+s22] =	stream.strided.scatter [tilespmem:s12], [sflag:$0x6], $0x1200, s14, s22, $0x38;
	v63 =	vld [tilespmem:$0x0]  }
0x6c: {  	s7 =	simm.s32 @!p0 $0x4;
	s20 =	sadd.s32 $0x808, s31;
	s11 =	rddreg [dreg:$0x8]  }
0x6d: {  	[hbm4b:s20+s22] =	stream.strided.scatter [tilespmem:s11], [sflag:$0x6], $0x1200, s14, s22, $0x38;
	v63 =	vld [tilespmem:$0x0]  }
0x6e: {  	_ =	swait.ge @!p0 [sflag:s7], $0x1C0  }
0x6f: {  	[sflag:s7] =	ssyncset.done @!p0 $0x0  }
0x70: {  	[sflag:s7] =	ssyncadd.s32 @!p0 $0xFFFFFE40  }
0x71: {  	_ =	swait.ge @!p0 [sflag:s7], $0x1C0  }
0x72: {  	[sflag:s7] =	ssyncset.done @!p0 $0x0  }
0x73: {  	s12 =	rddreg [dreg:$0x9];
	[sflag:s7] =	ssyncadd.s32 @!p0 $0xFFFFFE40  }
0x74: {  	[spmem:s9] =	stream.linear.scatter [tilespmem:s12], [sflag:$0x2], $0xE00, $0x38;
	v63 =	vld [tilespmem:$0x0]  }
0x75: {  	s19 =	rddreg [dreg:$0xa]  }
0x76: {  	[spmem:s10] =	stream.linear.scatter [tilespmem:s19], [sflag:$0x2], $0xE00, $0x38;
	v63 =	vld [tilespmem:$0x0]  }
0x77: {  	_ =	swait.ge [sflag:s23], $0xE00  }
0x78: {  	[sflag:s23] =	ssyncset.done $0x0  }
0x79: {  	[sflag:s23] =	ssyncadd.s32 $0xFFFFF200  }
0x7a: {  	s5 =	sshrl.u32 s10, $0x3;
	_ =	swait.ge [sflag:s23], $0xE00  }
0x7b: {  	s11 =	sshrl.u32 s9, $0x3;
	s20 =	sadd.s32 $0xC80, s31;
	[sflag:s23] =	ssyncset.done $0x0  }
0x7c: {  	s7 =	sor.u32 $0x1C04, s1;
	s12 =	sadd.s32 $0xC88, s31;
	[sflag:s23] =	ssyncadd.s32 $0xFFFFF200  }
0x7d: {  	[hbm:s20@s24], [sflag:s7] =	dma.strided [spmem:s11@s25], $0x1C0, s21, $0x8   }
0x7e: {  	[hbm:s12@s24], [sflag:s7] =	dma.strided [spmem:s5@s25], $0x1C0, s21, $0x8   }
0x7f: {  	_ =	swait.ge [sflag:s21], $0x2000  }
0x80: {  	[sflag:s21] =	ssyncset.done $0x0  }
0x81: {  	[sflag:s21] =	ssyncadd.s32 $0xFFFFE000  }
0x82: {  	_ =	swait.ge [sflag:s21], $0x2000  }
0x83: {  	[sflag:s21] =	ssyncset.done $0x0  }
0x84: {  	s12 =	sadd.s32 $0x1000, s31;
	[sflag:s21] =	ssyncadd.s32 $0xFFFFE000  }
0x85: {  	[hbm4b:s12+s22] =	stream.strided.scatter [tilespmem:s15], [sflag:$0x7], $0x1200, s14, s22, $0x38;
	v63 =	vld [tilespmem:$0x0]  }
0x86: {  	s15 =	sadd.s32 $0x1008, s31  }
0x87: {  	[hbm4b:s15+s22] =	stream.strided.scatter [tilespmem:s16], [sflag:$0x7], $0x1200, s14, s22, $0x38;
	v63 =	vld [tilespmem:$0x0]  }
0x88: {  	_ =	swait.ge [sflag:s26], $0x1C0  }
0x89: {  	[sflag:s26] =	ssyncset.done $0x0  }
0x8a: {  	[sflag:s26] =	ssyncadd.s32 $0xFFFFFE40  }
0x8b: {  	_ =	swait.ge [sflag:s26], $0x1C0  }
0x8c: {  	[sflag:s26] =	ssyncset.done $0x0  }
0x8d: {  	s19 =	rddreg [dreg:$0xb];
	[sflag:s26] =	ssyncadd.s32 $0xFFFFFE40  }
0x8e: {  	[spmem:s6] =	stream.linear.scatter [tilespmem:s19], [sflag:$0x2], $0xE00, $0x38;
	v63 =	vld [tilespmem:$0x0]  }
0x8f: {  	s20 =	rddreg [dreg:$0xc]  }
0x90: {  	[spmem:s8] =	stream.linear.scatter [tilespmem:s20], [sflag:$0x2], $0xE00, $0x38;
	v63 =	vld [tilespmem:$0x0]  }
0x91: {  	_ =	swait.ge [sflag:s23], $0xE00  }
0x92: {  	[sflag:s23] =	ssyncset.done $0x0  }
0x93: {  	[sflag:s23] =	ssyncadd.s32 $0xFFFFF200  }
0x94: {  	_ =	swait.ge [sflag:s23], $0xE00  }
0x95: {  	[sflag:s23] =	ssyncset.done $0x0  }
0x96: {  	s12 =	sadd.s32 $0x1480, s31;
	s15 =	sadd.s32 $0x1488, s31;
	[sflag:s23] =	ssyncadd.s32 $0xFFFFF200  }
0x97: {  	[hbm:s12@s24], [sflag:s2] =	dma.strided [spmem:s0@s25], $0x1C0, s21, $0x8   }
0x98: {  	[hbm:s15@s24], [sflag:s2] =	dma.strided [spmem:s13@s25], $0x1C0, s21, $0x8   }
0x99: {  	_ =	swait.ge [sflag:s21], $0x2000  }
0x9a: {  	[sflag:s21] =	ssyncset.done $0x0  }
0x9b: {  	[sflag:s21] =	ssyncadd.s32 $0xFFFFE000  }
0x9c: {  	_ =	swait.ge [sflag:s21], $0x2000  }
0x9d: {  	[sflag:s21] =	ssyncset.done $0x0  }
0x9e: {  	s16 =	sadd.s32 $0x1800, s31;
	[sflag:s21] =	ssyncadd.s32 $0xFFFFE000  }
0x9f: {  	[hbm4b:s16+s22] =	stream.strided.scatter [tilespmem:s17], [sflag:$0x8], $0x1200, s14, s22, $0x38;
	v63 =	vld [tilespmem:$0x0]  }
0xa0: {  	s17 =	sadd.s32 $0x1808, s31  }
0xa1: {  	[hbm4b:s17+s22] =	stream.strided.scatter [tilespmem:s18], [sflag:$0x8], $0x1200, s14, s22, $0x38;
	v63 =	vld [tilespmem:$0x0]  }
0xa2: {  	_ =	swait.ge [sflag:s28], $0x1C0  }
0xa3: {  	[sflag:s28] =	ssyncset.done $0x0  }
0xa4: {  	[sflag:s28] =	ssyncadd.s32 $0xFFFFFE40  }
0xa5: {  	_ =	swait.ge [sflag:s28], $0x1C0  }
0xa6: {  	[sflag:s28] =	ssyncset.done $0x0  }
0xa7: {  	s18 =	rddreg [dreg:$0xd];
	[sflag:s28] =	ssyncadd.s32 $0xFFFFFE40  }
0xa8: {  	[spmem:s9] =	stream.linear.scatter [tilespmem:s18], [sflag:$0x2], $0xE00, $0x38;
	v63 =	vld [tilespmem:$0x0]  }
0xa9: {  	s19 =	rddreg [dreg:$0xe]  }
0xaa: {  	[spmem:s10] =	stream.linear.scatter [tilespmem:s19], [sflag:$0x2], $0xE00, $0x38;
	v63 =	vld [tilespmem:$0x0]  }
0xab: {  	_ =	swait.ge [sflag:s23], $0xE00  }
0xac: {  	[sflag:s23] =	ssyncset.done $0x0  }
0xad: {  	s30 =	simm.s32 $0x4000;
	[sflag:s23] =	ssyncadd.s32 $0xFFFFF200  }
0xae: {  	p1 =	por $0x0, $0x0;
	s29 =	simm.s32 $0x800;
	_ =	swait.ge [sflag:s23], $0xE00  }
0xaf: {  	s1 =	sadd.s32 $0x1C88, s31;
	s20 =	sadd.s32 $0x1C80, s31;
	[sflag:s23] =	ssyncset.done $0x0  }
0xb0: {  	s12 =	simm.s32 $0x2000;
	s15 =	simm.s32 @!p1 $0x5;
	[sflag:s23] =	ssyncadd.s32 $0xFFFFF200  }
0xb1: {  	[hbm:s20@s24], [sflag:s7] =	dma.strided [spmem:s11@s25], $0x1C0, s21, $0x8   }
.LBB2_2:
0xb2: {  	[hbm:s1@s24], [sflag:s7] =	dma.strided [spmem:s5@s25], $0x1C0, s21, $0x8   }
0xb3: {  	_ =	swait.ge @!p1 [sflag:s15], $0x1200  }
0xb4: {  	[sflag:s15] =	ssyncset.done @!p1 $0x0  }
0xb5: {  	[sflag:s15] =	ssyncadd.s32 @!p1 $0xFFFFEE00  }
0xb6: {  	s31 =	sshra.s32 @!p1 s29, $0x2;
	_ =	swait.ge @!p1 [sflag:s15], $0x1200  }
0xb7: {  	s6 =	simm.s32 $0xC800;
	s16 =	sadd.s32 @!p1 $0x80, s31;
	[sflag:s15] =	ssyncset.done @!p1 $0x0  }
0xb8: {  	s17 =	sadd.s32 @!p1 $0x6480, s31;
	s31 =	sshra.s32 s29, $0x2;
	[sflag:s15] =	ssyncadd.s32 @!p1 $0xFFFFEE00  }
0xb9: {  	[tilespmem:s6], [sflag:$0x1] =	stream.indirect.gather [hbm4b:s3+s14], $0x40, s31, s14, $0xb8;
	v63 =	vld [tilespmem:$0x0]  }
0xba: {  	s8 =	simm.s32 $0x14800;
	s20 =	sadd.s32 $0x6400, s31  }
0xbb: {  	[tilespmem:s8], [sflag:$0x1] =	stream.indirect.gather [hbm4b:s4+s14], $0x40, s20, s14, $0xb8;
	v63 =	vld [tilespmem:$0x0]  }
0xbc: {  	s18 =	simm.s32 @p1 $0xE800;
	s15 =	simm.s32 @p1 $0x80  }
0xbd: {  	[tilespmem:s18], [sflag:$0x1] =	stream.indirect.gather @p1 [hbm4b:s3+s15], $0x40, s15, s15, $0xb8;
	v63 =	vld [tilespmem:$0x0]  }
0xbe: {  	s19 =	simm.s32 @p1 $0x16800;
	s20 =	simm.s32 @!p1 $0x6;
	s18 =	simm.s32 @p1 $0x6480  }
0xbf: {  	[tilespmem:s19], [sflag:$0x1] =	stream.indirect.gather @p1 [hbm4b:s4+s15], $0x40, s18, s15, $0xb8;
	v63 =	vld [tilespmem:$0x0]  }
0xc0: {  	_ =	swait.ge @!p1 [sflag:s20], $0x1200  }
0xc1: {  	[sflag:s20] =	ssyncset.done @!p1 $0x0  }
0xc2: {  	[sflag:s20] =	ssyncadd.s32 @!p1 $0xFFFFEE00  }
0xc3: {  	_ =	swait.ge @!p1 [sflag:s20], $0x1200  }
0xc4: {  	[sflag:s20] =	ssyncset.done @!p1 $0x0  }
0xc5: {  	s15 =	simm.s32 @!p1 $0x80;
	s18 =	simm.s32 @!p1 $0xE800;
	[sflag:s20] =	ssyncadd.s32 @!p1 $0xFFFFEE00  }
0xc6: {  	[tilespmem:s18], [sflag:$0x1] =	stream.indirect.gather @!p1 [hbm4b:s3+s15], $0x40, s16, s15, $0xb8;
	v63 =	vld [tilespmem:$0x0]  }
0xc7: {  	s16 =	simm.s32 @!p1 $0x16800;
	s18 =	simm.s32 @!p1 $0x7  }
0xc8: {  	[tilespmem:s16], [sflag:$0x1] =	stream.indirect.gather @!p1 [hbm4b:s4+s15], $0x40, s17, s15, $0xb8;
	v63 =	vld [tilespmem:$0x0]  }
0xc9: {  	_ =	swait.ge @!p1 [sflag:s18], $0x1200  }
0xca: {  	[sflag:s18] =	ssyncset.done @!p1 $0x0  }
0xcb: {  	[sflag:s18] =	ssyncadd.s32 @!p1 $0xFFFFEE00  }
0xcc: {  	_ =	swait.ge @!p1 [sflag:s18], $0x1200  }
0xcd: {  	[sflag:s18] =	ssyncset.done @!p1 $0x0  }
0xce: {  	s17 =	simm.s32 $0x10800;
	[sflag:s18] =	ssyncadd.s32 @!p1 $0xFFFFEE00;
	s18 =	sadd.s32 $0x100, s31  }
0xcf: {  	[tilespmem:s17], [sflag:$0x1] =	stream.indirect.gather [hbm4b:s3+s14], $0x40, s18, s14, $0xb8;
	v63 =	vld [tilespmem:$0x0]  }
0xd0: {  	s19 =	sadd.s32 $0x6500, s31;
	s16 =	simm.s32 @!p1 $0x8;
	s18 =	simm.s32 $0x18800  }
0xd1: {  	[tilespmem:s18], [sflag:$0x1] =	stream.indirect.gather [hbm4b:s4+s14], $0x40, s19, s14, $0xb8;
	v63 =	vld [tilespmem:$0x0]  }
0xd2: {  	_ =	swait.ge @!p1 [sflag:s16], $0x1200  }
0xd3: {  	[sflag:s16] =	ssyncset.done @!p1 $0x0  }
0xd4: {  	[sflag:s16] =	ssyncadd.s32 @!p1 $0xFFFFEE00  }
0xd5: {  	_ =	swait.ge @!p1 [sflag:s16], $0x1200  }
0xd6: {  	[sflag:s16] =	ssyncset.done @!p1 $0x0  }
0xd7: {  	s20 =	sadd.s32 $0x180, s31;
	s19 =	simm.s32 $0x12800;
	[sflag:s16] =	ssyncadd.s32 @!p1 $0xFFFFEE00  }
0xd8: {  	[tilespmem:s19], [sflag:$0x1] =	stream.indirect.gather [hbm4b:s3+s14], $0x40, s20, s14, $0xb8;
	v63 =	vld [tilespmem:$0x0]  }
0xd9: {  	s16 =	sadd.s32 $0x6580, s31;
	s20 =	simm.s32 $0x1A800  }
0xda: {  	[tilespmem:s20], [sflag:$0x1] =	stream.indirect.gather [hbm4b:s4+s14], $0x40, s16, s14, $0xb8;
	v63 =	vld [tilespmem:$0x0]  }
0xdb: {  	_ =	swait.ge [sflag:s21], $0x2000  }
0xdc: {  	[sflag:s21] =	ssyncset.done $0x0  }
0xdd: {  	[sflag:s21] =	ssyncadd.s32 $0xFFFFE000  }
0xde: {  	_ =	swait.ge [sflag:s21], $0x2000  }
0xdf: {  	s31 =	rddreg [dreg:$0x4];
	[sflag:s21] =	ssyncset.done $0x0  }
0xe0: {  	[sflag:s21] =	ssyncadd.s32 $0xFFFFE000;
	s31 =	sadd.s32 s12, s31  }
0xe1: {  	[hbm4b:s31+s22] =	stream.strided.scatter [tilespmem:s6], [sflag:$0x5], $0x1200, s14, s22, $0x38;
	v63 =	vld [tilespmem:$0x0]  }
0xe2: {  	s15 =	simm.s32 @!p1 $0x3;
	s6 =	sadd.s32 $0x8, s31  }
0xe3: {  	[hbm4b:s6+s22] =	stream.strided.scatter [tilespmem:s8], [sflag:$0x5], $0x1200, s14, s22, $0x38;
	v63 =	vld [tilespmem:$0x0]  }
0xe4: {  	_ =	swait.ge @!p1 [sflag:s15], $0x1C0  }
0xe5: {  	[sflag:s15] =	ssyncset.done @!p1 $0x0  }
0xe6: {  	[sflag:s15] =	ssyncadd.s32 @!p1 $0xFFFFFE40  }
0xe7: {  	_ =	swait.ge @!p1 [sflag:s15], $0x1C0  }
0xe8: {  	s8 =	rddreg [dreg:$0x5]  }
0xe9: {  	[sflag:s15] =	ssyncset.done @!p1 $0x0;
	s16 =	rddreg [dreg:$0x6]  }
0xea: {  	s6 =	rddreg [dreg:$0xf];
	[sflag:s15] =	ssyncadd.s32 @!p1 $0xFFFFFE40  }
0xeb: {  	[spmem:s6] =	stream.linear.scatter [tilespmem:s8], [sflag:$0x2], $0xE00, $0x38;
	v63 =	vld [tilespmem:$0x0]  }
0xec: {  	s8 =	rddreg [dreg:$0x10]  }
0xed: {  	[spmem:s8] =	stream.linear.scatter [tilespmem:s16], [sflag:$0x2], $0xE00, $0x38;
	v63 =	vld [tilespmem:$0x0]  }
0xee: {  	_ =	swait.ge [sflag:s23], $0xE00  }
0xef: {  	[sflag:s23] =	ssyncset.done $0x0  }
0xf0: {  	[sflag:s23] =	ssyncadd.s32 $0xFFFFF200  }
0xf1: {  	s1 =	smov.u32 s30;
	_ =	swait.ge [sflag:s23], $0xE00  }
0xf2: {  	s12 =	smov.u32 s1;
	[sflag:s23] =	ssyncset.done $0x0  }
0xf3: {  	s1 =	sadd.s32 $0x488, s31;
	s16 =	sadd.s32 $0x480, s31;
	[sflag:s23] =	ssyncadd.s32 $0xFFFFF200  }
0xf4: {  	[hbm:s16@s24], [sflag:s2] =	dma.strided [spmem:s0@s25], $0x1C0, s21, $0x8   }
0xf5: {  	[hbm:s1@s24], [sflag:s2] =	dma.strided [spmem:s13@s25], $0x1C0, s21, $0x8   }
0xf6: {  	_ =	swait.ge [sflag:s21], $0x2000  }
0xf7: {  	[sflag:s21] =	ssyncset.done $0x0  }
0xf8: {  	[sflag:s21] =	ssyncadd.s32 $0xFFFFE000  }
0xf9: {  	_ =	swait.ge [sflag:s21], $0x2000  }
0xfa: {  	[sflag:s21] =	ssyncset.done $0x0  }
0xfb: {  	s15 =	sadd.s32 $0x800, s31;
	s1 =	rddreg [dreg:$0x7];
	[sflag:s21] =	ssyncadd.s32 $0xFFFFE000  }
0xfc: {  	[hbm4b:s15+s22] =	stream.strided.scatter [tilespmem:s1], [sflag:$0x6], $0x1200, s14, s22, $0x38;
	v63 =	vld [tilespmem:$0x0]  }
0xfd: {  	s16 =	rddreg [dreg:$0x8];
	s1 =	sadd.s32 $0x808, s31;
	s15 =	simm.s32 @!p1 $0x4  }
0xfe: {  	[hbm4b:s1+s22] =	stream.strided.scatter [tilespmem:s16], [sflag:$0x6], $0x1200, s14, s22, $0x38;
	v63 =	vld [tilespmem:$0x0]  }
0xff: {  	_ =	swait.ge @!p1 [sflag:s15], $0x1C0  }
0x100: {  	[sflag:s15] =	ssyncset.done @!p1 $0x0  }
0x101: {  	[sflag:s15] =	ssyncadd.s32 @!p1 $0xFFFFFE40  }
0x102: {  	_ =	swait.ge @!p1 [sflag:s15], $0x1C0  }
0x103: {  	[sflag:s15] =	ssyncset.done @!p1 $0x0  }
0x104: {  	s1 =	rddreg [dreg:$0x9];
	[sflag:s15] =	ssyncadd.s32 @!p1 $0xFFFFFE40  }
0x105: {  	[spmem:s9] =	stream.linear.scatter [tilespmem:s1], [sflag:$0x2], $0xE00, $0x38;
	v63 =	vld [tilespmem:$0x0]  }
0x106: {  	s16 =	rddreg [dreg:$0xa]  }
0x107: {  	[spmem:s10] =	stream.linear.scatter [tilespmem:s16], [sflag:$0x2], $0xE00, $0x38;
	v63 =	vld [tilespmem:$0x0]  }
0x108: {  	_ =	swait.ge [sflag:s23], $0xE00  }
0x109: {  	[sflag:s23] =	ssyncset.done $0x0  }
0x10a: {  	[sflag:s23] =	ssyncadd.s32 $0xFFFFF200  }
0x10b: {  	_ =	swait.ge [sflag:s23], $0xE00  }
0x10c: {  	[sflag:s23] =	ssyncset.done $0x0  }
0x10d: {  	s15 =	sadd.s32 $0xC80, s31;
	s16 =	sadd.s32 $0xC88, s31;
	[sflag:s23] =	ssyncadd.s32 $0xFFFFF200  }
0x10e: {  	[hbm:s15@s24], [sflag:s7] =	dma.strided [spmem:s11@s25], $0x1C0, s21, $0x8   }
0x10f: {  	[hbm:s16@s24], [sflag:s7] =	dma.strided [spmem:s5@s25], $0x1C0, s21, $0x8   }
0x110: {  	_ =	swait.ge [sflag:s21], $0x2000  }
0x111: {  	[sflag:s21] =	ssyncset.done $0x0  }
0x112: {  	[sflag:s21] =	ssyncadd.s32 $0xFFFFE000  }
0x113: {  	_ =	swait.ge [sflag:s21], $0x2000  }
0x114: {  	[sflag:s21] =	ssyncset.done $0x0  }
0x115: {  	s15 =	sadd.s32 $0x1000, s31;
	[sflag:s21] =	ssyncadd.s32 $0xFFFFE000  }
0x116: {  	[hbm4b:s15+s22] =	stream.strided.scatter [tilespmem:s17], [sflag:$0x7], $0x1200, s14, s22, $0x38;
	v63 =	vld [tilespmem:$0x0]  }
0x117: {  	s16 =	sadd.s32 $0x1008, s31  }
0x118: {  	[hbm4b:s16+s22] =	stream.strided.scatter [tilespmem:s18], [sflag:$0x7], $0x1200, s14, s22, $0x38;
	v63 =	vld [tilespmem:$0x0]  }
0x119: {  	_ =	swait.ge [sflag:s26], $0x1C0  }
0x11a: {  	[sflag:s26] =	ssyncset.done $0x0  }
0x11b: {  	[sflag:s26] =	ssyncadd.s32 $0xFFFFFE40  }
0x11c: {  	_ =	swait.ge [sflag:s26], $0x1C0  }
0x11d: {  	[sflag:s26] =	ssyncset.done $0x0  }
0x11e: {  	s17 =	rddreg [dreg:$0xb];
	[sflag:s26] =	ssyncadd.s32 $0xFFFFFE40  }
0x11f: {  	[spmem:s6] =	stream.linear.scatter [tilespmem:s17], [sflag:$0x2], $0xE00, $0x38;
	v63 =	vld [tilespmem:$0x0]  }
0x120: {  	s18 =	rddreg [dreg:$0xc]  }
0x121: {  	[spmem:s8] =	stream.linear.scatter [tilespmem:s18], [sflag:$0x2], $0xE00, $0x38;
	v63 =	vld [tilespmem:$0x0]  }
0x122: {  	_ =	swait.ge [sflag:s23], $0xE00  }
0x123: {  	[sflag:s23] =	ssyncset.done $0x0  }
0x124: {  	[sflag:s23] =	ssyncadd.s32 $0xFFFFF200  }
0x125: {  	_ =	swait.ge [sflag:s23], $0xE00  }
0x126: {  	[sflag:s23] =	ssyncset.done $0x0  }
0x127: {  	s15 =	sadd.s32 $0x1480, s31;
	s16 =	sadd.s32 $0x1488, s31;
	[sflag:s23] =	ssyncadd.s32 $0xFFFFF200  }
0x128: {  	[hbm:s15@s24], [sflag:s2] =	dma.strided [spmem:s0@s25], $0x1C0, s21, $0x8   }
0x129: {  	[hbm:s16@s24], [sflag:s2] =	dma.strided [spmem:s13@s25], $0x1C0, s21, $0x8   }
0x12a: {  	_ =	swait.ge [sflag:s21], $0x2000  }
0x12b: {  	[sflag:s21] =	ssyncset.done $0x0  }
0x12c: {  	[sflag:s21] =	ssyncadd.s32 $0xFFFFE000  }
0x12d: {  	_ =	swait.ge [sflag:s21], $0x2000  }
0x12e: {  	[sflag:s21] =	ssyncset.done $0x0  }
0x12f: {  	s17 =	sadd.s32 $0x1800, s31;
	[sflag:s21] =	ssyncadd.s32 $0xFFFFE000  }
0x130: {  	[hbm4b:s17+s22] =	stream.strided.scatter [tilespmem:s19], [sflag:$0x8], $0x1200, s14, s22, $0x38;
	v63 =	vld [tilespmem:$0x0]  }
0x131: {  	s18 =	sadd.s32 $0x1808, s31  }
0x132: {  	[hbm4b:s18+s22] =	stream.strided.scatter [tilespmem:s20], [sflag:$0x8], $0x1200, s14, s22, $0x38;
	v63 =	vld [tilespmem:$0x0]  }
0x133: {  	_ =	swait.ge [sflag:s28], $0x1C0  }
0x134: {  	[sflag:s28] =	ssyncset.done $0x0  }
0x135: {  	[sflag:s28] =	ssyncadd.s32 $0xFFFFFE40  }
0x136: {  	_ =	swait.ge [sflag:s28], $0x1C0  }
0x137: {  	[sflag:s28] =	ssyncset.done $0x0  }
0x138: {  	s19 =	rddreg [dreg:$0xd];
	[sflag:s28] =	ssyncadd.s32 $0xFFFFFE40  }
0x139: {  	[spmem:s9] =	stream.linear.scatter [tilespmem:s19], [sflag:$0x2], $0xE00, $0x38;
	v63 =	vld [tilespmem:$0x0]  }
0x13a: {  	s20 =	rddreg [dreg:$0xe]  }
0x13b: {  	[spmem:s10] =	stream.linear.scatter [tilespmem:s20], [sflag:$0x2], $0xE00, $0x38;
	v63 =	vld [tilespmem:$0x0]  }
0x13c: {  	s30 =	sadd.s32 $0x2000, s30;
	_ =	swait.ge [sflag:s23], $0xE00  }
0x13d: {  	p0 =	sne.s32 s30, $0x64000;
	[sflag:s23] =	ssyncset.done $0x0  }
.Ltmp0:
0x13e: {  	[sflag:s23] =	ssyncadd.s32 $0xFFFFF200;
	(pc) =	sbr.rel @p0 .LBB2_2-.Ltmp0, $4  }
0x13f: {  	s29 =	sadd.s32 $0x800, s29;
	_ =	swait.ge [sflag:s23], $0xE00  }
0x140: {  	p1 =	seq.s32 s12, $0x0;
	s1 =	sadd.s32 $0x1C88, s31;
	[sflag:s23] =	ssyncset.done $0x0  }
0x141: {  	s31 =	sadd.s32 $0x1C80, s31;
	s15 =	simm.s32 @!p1 $0x5;
	[sflag:s23] =	ssyncadd.s32 $0xFFFFF200  }
0x142: {  	[hbm:s31@s24], [sflag:s7] =	dma.strided [spmem:s11@s25], $0x1C0, s21, $0x8   }
0x143: {  	[hbm:s1@s24], [sflag:s7] =	dma.strided [spmem:s5@s25], $0x1C0, s21, $0x8   }
0x144: {  	_ =	swait.ge @!p1 [sflag:s15], $0x1200  }
0x145: {  	[sflag:s15] =	ssyncset.done @!p1 $0x0  }
0x146: {  	[sflag:s15] =	ssyncadd.s32 @!p1 $0xFFFFEE00  }
0x147: {  	_ =	swait.ge @!p1 [sflag:s15], $0x1200  }
0x148: {  	[sflag:s15] =	ssyncset.done @!p1 $0x0  }
0x149: {  	s1 =	sshra.s32 s29, $0x2;
	s6 =	simm.s32 $0xC800;
	[sflag:s15] =	ssyncadd.s32 @!p1 $0xFFFFEE00  }
0x14a: {  	[tilespmem:s6], [sflag:$0x1] =	stream.indirect.gather [hbm4b:s3+s14], $0x40, s1, s14, $0xb8;
	v63 =	vld [tilespmem:$0x0]  }
0x14b: {  	s8 =	simm.s32 $0x14800;
	s20 =	sadd.s32 $0x6400, s1  }
0x14c: {  	[tilespmem:s8], [sflag:$0x1] =	stream.indirect.gather [hbm4b:s4+s14], $0x40, s20, s14, $0xb8;
	v63 =	vld [tilespmem:$0x0]  }
0x14d: {  	s16 =	simm.s32 @p1 $0xE800;
	s15 =	simm.s32 @p1 $0x80  }
0x14e: {  	[tilespmem:s16], [sflag:$0x1] =	stream.indirect.gather @p1 [hbm4b:s3+s15], $0x40, s15, s15, $0xb8;
	v63 =	vld [tilespmem:$0x0]  }
0x14f: {  	s17 =	simm.s32 @p1 $0x16800;
	s16 =	simm.s32 @p1 $0x6480  }
0x150: {  	[tilespmem:s17], [sflag:$0x1] =	stream.indirect.gather @p1 [hbm4b:s4+s15], $0x40, s16, s15, $0xb8;
	v63 =	vld [tilespmem:$0x0]  }
0x151: {  	s15 =	simm.s32 @!p1 $0x6  }
0x152: {  	_ =	swait.ge @!p1 [sflag:s15], $0x1200  }
0x153: {  	[sflag:s15] =	ssyncset.done @!p1 $0x0  }
0x154: {  	[sflag:s15] =	ssyncadd.s32 @!p1 $0xFFFFEE00  }
0x155: {  	_ =	swait.ge @!p1 [sflag:s15], $0x1200  }
0x156: {  	s18 =	simm.s32 @!p1 $0xE800;
	s16 =	sshra.s32 @!p1 s29, $0x2;
	[sflag:s15] =	ssyncset.done @!p1 $0x0  }
0x157: {  	s17 =	sadd.s32 @!p1 $0x80, s16;
	[sflag:s15] =	ssyncadd.s32 @!p1 $0xFFFFEE00;
	s15 =	simm.s32 @!p1 $0x80  }
0x158: {  	[tilespmem:s18], [sflag:$0x1] =	stream.indirect.gather @!p1 [hbm4b:s3+s15], $0x40, s17, s15, $0xb8;
	v63 =	vld [tilespmem:$0x0]  }
0x159: {  	s16 =	sadd.s32 @!p1 $0x6480, s16;
	s17 =	simm.s32 @!p1 $0x16800  }
0x15a: {  	[tilespmem:s17], [sflag:$0x1] =	stream.indirect.gather @!p1 [hbm4b:s4+s15], $0x40, s16, s15, $0xb8;
	v63 =	vld [tilespmem:$0x0]  }
0x15b: {  	s15 =	simm.s32 @!p1 $0x7  }
0x15c: {  	_ =	swait.ge @!p1 [sflag:s15], $0x1200  }
0x15d: {  	[sflag:s15] =	ssyncset.done @!p1 $0x0  }
0x15e: {  	[sflag:s15] =	ssyncadd.s32 @!p1 $0xFFFFEE00  }
0x15f: {  	_ =	swait.ge @!p1 [sflag:s15], $0x1200  }
0x160: {  	[sflag:s15] =	ssyncset.done @!p1 $0x0  }
0x161: {  	s29 =	sadd.s32 $0x100, s1;
	s17 =	simm.s32 $0x10800;
	[sflag:s15] =	ssyncadd.s32 @!p1 $0xFFFFEE00  }
0x162: {  	[tilespmem:s17], [sflag:$0x1] =	stream.indirect.gather [hbm4b:s3+s14], $0x40, s29, s14, $0xb8;
	v63 =	vld [tilespmem:$0x0]  }
0x163: {  	s30 =	sadd.s32 $0x6500, s1;
	s18 =	simm.s32 $0x18800;
	s16 =	simm.s32 @!p1 $0x8  }
0x164: {  	[tilespmem:s18], [sflag:$0x1] =	stream.indirect.gather [hbm4b:s4+s14], $0x40, s30, s14, $0xb8;
	v63 =	vld [tilespmem:$0x0]  }
0x165: {  	_ =	swait.ge @!p1 [sflag:s16], $0x1200  }
0x166: {  	[sflag:s16] =	ssyncset.done @!p1 $0x0  }
0x167: {  	[sflag:s16] =	ssyncadd.s32 @!p1 $0xFFFFEE00  }
0x168: {  	_ =	swait.ge @!p1 [sflag:s16], $0x1200  }
0x169: {  	[sflag:s16] =	ssyncset.done @!p1 $0x0  }
0x16a: {  	s19 =	simm.s32 $0x12800;
	s31 =	sadd.s32 $0x180, s1;
	[sflag:s16] =	ssyncadd.s32 @!p1 $0xFFFFEE00  }
0x16b: {  	[tilespmem:s19], [sflag:$0x1] =	stream.indirect.gather [hbm4b:s3+s14], $0x40, s31, s14, $0xb8;
	v63 =	vld [tilespmem:$0x0]  }
0x16c: {  	s20 =	simm.s32 $0x1A800;
	s1 =	sadd.s32 $0x6580, s1  }
0x16d: {  	[tilespmem:s20], [sflag:$0x1] =	stream.indirect.gather [hbm4b:s4+s14], $0x40, s1, s14, $0xb8;
	v63 =	vld [tilespmem:$0x0]  }
0x16e: {  	_ =	swait.ge [sflag:s21], $0x2000  }
0x16f: {  	[sflag:s21] =	ssyncset.done $0x0  }
0x170: {  	[sflag:s21] =	ssyncadd.s32 $0xFFFFE000  }
0x171: {  	_ =	swait.ge [sflag:s21], $0x2000  }
0x172: {  	s16 =	rddreg [dreg:$0x4];
	[sflag:s21] =	ssyncset.done $0x0  }
0x173: {  	[sflag:s21] =	ssyncadd.s32 $0xFFFFE000;
	s12 =	sadd.s32 s12, s16  }
0x174: {  	[hbm4b:s12+s22] =	stream.strided.scatter [tilespmem:s6], [sflag:$0x5], $0x1200, s14, s22, $0x38;
	v63 =	vld [tilespmem:$0x0]  }
0x175: {  	s15 =	simm.s32 @!p1 $0x3;
	s1 =	sadd.s32 $0x8, s12  }
0x176: {  	[hbm4b:s1+s22] =	stream.strided.scatter [tilespmem:s8], [sflag:$0x5], $0x1200, s14, s22, $0x38;
	v63 =	vld [tilespmem:$0x0]  }
0x177: {  	_ =	swait.ge @!p1 [sflag:s15], $0x1C0  }
0x178: {  	[sflag:s15] =	ssyncset.done @!p1 $0x0  }
0x179: {  	[sflag:s15] =	ssyncadd.s32 @!p1 $0xFFFFFE40  }
0x17a: {  	_ =	swait.ge @!p1 [sflag:s15], $0x1C0  }
0x17b: {  	s29 =	rddreg [dreg:$0x5]  }
0x17c: {  	[sflag:s15] =	ssyncset.done @!p1 $0x0;
	s30 =	rddreg [dreg:$0x6]  }
0x17d: {  	s6 =	rddreg [dreg:$0xf];
	[sflag:s15] =	ssyncadd.s32 @!p1 $0xFFFFFE40  }
0x17e: {  	[spmem:s6] =	stream.linear.scatter [tilespmem:s29], [sflag:$0x2], $0xE00, $0x38;
	v63 =	vld [tilespmem:$0x0]  }
0x17f: {  	s8 =	rddreg [dreg:$0x10]  }
0x180: {  	[spmem:s8] =	stream.linear.scatter [tilespmem:s30], [sflag:$0x2], $0xE00, $0x38;
	v63 =	vld [tilespmem:$0x0]  }
0x181: {  	_ =	swait.ge [sflag:s23], $0xE00  }
0x182: {  	[sflag:s23] =	ssyncset.done $0x0  }
0x183: {  	[sflag:s23] =	ssyncadd.s32 $0xFFFFF200  }
0x184: {  	_ =	swait.ge [sflag:s23], $0xE00  }
0x185: {  	[sflag:s23] =	ssyncset.done $0x0  }
0x186: {  	s31 =	sadd.s32 $0x488, s12;
	s16 =	sadd.s32 $0x480, s12;
	[sflag:s23] =	ssyncadd.s32 $0xFFFFF200  }
0x187: {  	[hbm:s16@s24], [sflag:s2] =	dma.strided [spmem:s0@s25], $0x1C0, s21, $0x8   }
0x188: {  	[hbm:s31@s24], [sflag:s2] =	dma.strided [spmem:s13@s25], $0x1C0, s21, $0x8   }
0x189: {  	_ =	swait.ge [sflag:s21], $0x2000  }
0x18a: {  	[sflag:s21] =	ssyncset.done $0x0  }
0x18b: {  	[sflag:s21] =	ssyncadd.s32 $0xFFFFE000  }
0x18c: {  	_ =	swait.ge [sflag:s21], $0x2000  }
0x18d: {  	[sflag:s21] =	ssyncset.done $0x0  }
0x18e: {  	s30 =	sadd.s32 $0x800, s12;
	s29 =	rddreg [dreg:$0x7];
	[sflag:s21] =	ssyncadd.s32 $0xFFFFE000  }
0x18f: {  	[hbm4b:s30+s22] =	stream.strided.scatter [tilespmem:s29], [sflag:$0x6], $0x1200, s14, s22, $0x38;
	v63 =	vld [tilespmem:$0x0]  }
0x190: {  	s1 =	simm.s32 @!p1 $0x4;
	s15 =	sadd.s32 $0x808, s12;
	s31 =	rddreg [dreg:$0x8]  }
0x191: {  	[hbm4b:s15+s22] =	stream.strided.scatter [tilespmem:s31], [sflag:$0x6], $0x1200, s14, s22, $0x38;
	v63 =	vld [tilespmem:$0x0]  }
0x192: {  	_ =	swait.ge @!p1 [sflag:s1], $0x1C0  }
0x193: {  	[sflag:s1] =	ssyncset.done @!p1 $0x0  }
0x194: {  	[sflag:s1] =	ssyncadd.s32 @!p1 $0xFFFFFE40  }
0x195: {  	_ =	swait.ge @!p1 [sflag:s1], $0x1C0  }
0x196: {  	[sflag:s1] =	ssyncset.done @!p1 $0x0  }
0x197: {  	s16 =	rddreg [dreg:$0x9];
	[sflag:s1] =	ssyncadd.s32 @!p1 $0xFFFFFE40  }
0x198: {  	[spmem:s9] =	stream.linear.scatter [tilespmem:s16], [sflag:$0x2], $0xE00, $0x38;
	v63 =	vld [tilespmem:$0x0]  }
0x199: {  	s29 =	rddreg [dreg:$0xa]  }
0x19a: {  	[spmem:s10] =	stream.linear.scatter [tilespmem:s29], [sflag:$0x2], $0xE00, $0x38;
	v63 =	vld [tilespmem:$0x0]  }
0x19b: {  	_ =	swait.ge [sflag:s23], $0xE00  }
0x19c: {  	[sflag:s23] =	ssyncset.done $0x0  }
0x19d: {  	[sflag:s23] =	ssyncadd.s32 $0xFFFFF200  }
0x19e: {  	_ =	swait.ge [sflag:s23], $0xE00  }
0x19f: {  	[sflag:s23] =	ssyncset.done $0x0  }
0x1a0: {  	s30 =	sadd.s32 $0xC80, s12;
	s31 =	sadd.s32 $0xC88, s12;
	[sflag:s23] =	ssyncadd.s32 $0xFFFFF200  }
0x1a1: {  	[hbm:s30@s24], [sflag:s7] =	dma.strided [spmem:s11@s25], $0x1C0, s21, $0x8   }
0x1a2: {  	[hbm:s31@s24], [sflag:s7] =	dma.strided [spmem:s5@s25], $0x1C0, s21, $0x8   }
0x1a3: {  	_ =	swait.ge [sflag:s21], $0x2000  }
0x1a4: {  	[sflag:s21] =	ssyncset.done $0x0  }
0x1a5: {  	[sflag:s21] =	ssyncadd.s32 $0xFFFFE000  }
0x1a6: {  	_ =	swait.ge [sflag:s21], $0x2000  }
0x1a7: {  	[sflag:s21] =	ssyncset.done $0x0  }
0x1a8: {  	s16 =	sadd.s32 $0x1000, s12;
	[sflag:s21] =	ssyncadd.s32 $0xFFFFE000  }
0x1a9: {  	[hbm4b:s16+s22] =	stream.strided.scatter [tilespmem:s17], [sflag:$0x7], $0x1200, s14, s22, $0x38;
	v63 =	vld [tilespmem:$0x0]  }
0x1aa: {  	s17 =	sadd.s32 $0x1008, s12  }
0x1ab: {  	[hbm4b:s17+s22] =	stream.strided.scatter [tilespmem:s18], [sflag:$0x7], $0x1200, s14, s22, $0x38;
	v63 =	vld [tilespmem:$0x0]  }
0x1ac: {  	_ =	swait.ge [sflag:s26], $0x1C0  }
0x1ad: {  	[sflag:s26] =	ssyncset.done $0x0  }
0x1ae: {  	[sflag:s26] =	ssyncadd.s32 $0xFFFFFE40  }
0x1af: {  	_ =	swait.ge [sflag:s26], $0x1C0  }
0x1b0: {  	[sflag:s26] =	ssyncset.done $0x0  }
0x1b1: {  	s29 =	rddreg [dreg:$0xb];
	[sflag:s26] =	ssyncadd.s32 $0xFFFFFE40  }
0x1b2: {  	[spmem:s6] =	stream.linear.scatter [tilespmem:s29], [sflag:$0x2], $0xE00, $0x38;
	v63 =	vld [tilespmem:$0x0]  }
0x1b3: {  	s30 =	rddreg [dreg:$0xc]  }
0x1b4: {  	[spmem:s8] =	stream.linear.scatter [tilespmem:s30], [sflag:$0x2], $0xE00, $0x38;
	v63 =	vld [tilespmem:$0x0]  }
0x1b5: {  	_ =	swait.ge [sflag:s23], $0xE00  }
0x1b6: {  	[sflag:s23] =	ssyncset.done $0x0  }
0x1b7: {  	[sflag:s23] =	ssyncadd.s32 $0xFFFFF200  }
0x1b8: {  	_ =	swait.ge [sflag:s23], $0xE00  }
0x1b9: {  	[sflag:s23] =	ssyncset.done $0x0  }
0x1ba: {  	s31 =	sadd.s32 $0x1480, s12;
	s6 =	sadd.s32 $0x1488, s12;
	[sflag:s23] =	ssyncadd.s32 $0xFFFFF200  }
0x1bb: {  	[hbm:s31@s24], [sflag:s2] =	dma.strided [spmem:s0@s25], $0x1C0, s21, $0x8   }
0x1bc: {  	[hbm:s6@s24], [sflag:s2] =	dma.strided [spmem:s13@s25], $0x1C0, s21, $0x8   }
0x1bd: {  	_ =	swait.ge [sflag:s21], $0x2000  }
0x1be: {  	[sflag:s21] =	ssyncset.done $0x0  }
0x1bf: {  	[sflag:s21] =	ssyncadd.s32 $0xFFFFE000  }
0x1c0: {  	_ =	swait.ge [sflag:s21], $0x2000  }
0x1c1: {  	[sflag:s21] =	ssyncset.done $0x0  }
0x1c2: {  	s8 =	sadd.s32 $0x1800, s12;
	[sflag:s21] =	ssyncadd.s32 $0xFFFFE000  }
0x1c3: {  	[hbm4b:s8+s22] =	stream.strided.scatter [tilespmem:s19], [sflag:$0x8], $0x1200, s14, s22, $0x38;
	v63 =	vld [tilespmem:$0x0]  }
0x1c4: {  	s13 =	sadd.s32 $0x1808, s12  }
0x1c5: {  	[hbm4b:s13+s22] =	stream.strided.scatter [tilespmem:s20], [sflag:$0x8], $0x1200, s14, s22, $0x38;
	v63 =	vld [tilespmem:$0x0]  }
0x1c6: {  	_ =	swait.ge [sflag:s28], $0x1C0  }
0x1c7: {  	[sflag:s28] =	ssyncset.done $0x0  }
0x1c8: {  	[sflag:s28] =	ssyncadd.s32 $0xFFFFFE40  }
0x1c9: {  	_ =	swait.ge [sflag:s28], $0x1C0  }
0x1ca: {  	[sflag:s28] =	ssyncset.done $0x0  }
0x1cb: {  	s15 =	rddreg [dreg:$0xd];
	[sflag:s28] =	ssyncadd.s32 $0xFFFFFE40  }
0x1cc: {  	[spmem:s9] =	stream.linear.scatter [tilespmem:s15], [sflag:$0x2], $0xE00, $0x38;
	v63 =	vld [tilespmem:$0x0]  }
0x1cd: {  	s16 =	rddreg [dreg:$0xe]  }
0x1ce: {  	[spmem:s10] =	stream.linear.scatter [tilespmem:s16], [sflag:$0x2], $0xE00, $0x38;
	v63 =	vld [tilespmem:$0x0]  }
0x1cf: {  	_ =	swait.ge [sflag:s23], $0xE00  }
0x1d0: {  	[sflag:s23] =	ssyncset.done $0x0  }
0x1d1: {  	[sflag:s23] =	ssyncadd.s32 $0xFFFFF200  }
0x1d2: {  	_ =	swait.ge [sflag:s23], $0xE00  }
0x1d3: {  	s17 =	sadd.s32 $0x1C80, s12;
	[sflag:s23] =	ssyncset.done $0x0  }
0x1d4: {  	s18 =	sadd.s32 $0x1C88, s12;
	s19 =	simm.s32 $0x5;
	[sflag:s23] =	ssyncadd.s32 $0xFFFFF200  }
0x1d5: {  	[hbm:s17@s24], [sflag:s7] =	dma.strided [spmem:s11@s25], $0x1C0, s21, $0x8   }
0x1d6: {  	[hbm:s18@s24], [sflag:s7] =	dma.strided [spmem:s5@s25], $0x1C0, s21, $0x8   }
0x1d7: {  	_ =	swait.ge [sflag:s19], $0x1200  }
0x1d8: {  	[sflag:s19] =	ssyncset.done $0x0  }
0x1d9: {  	[sflag:s19] =	ssyncadd.s32 $0xFFFFEE00  }
0x1da: {  	_ =	swait.ge [sflag:s19], $0x1200  }
0x1db: {  	[sflag:s19] =	ssyncset.done $0x0  }
0x1dc: {  	s20 =	simm.s32 $0x6;
	[sflag:s19] =	ssyncadd.s32 $0xFFFFEE00  }
0x1dd: {  	_ =	swait.ge [sflag:s20], $0x1200  }
0x1de: {  	[sflag:s20] =	ssyncset.done $0x0  }
0x1df: {  	[sflag:s20] =	ssyncadd.s32 $0xFFFFEE00  }
0x1e0: {  	_ =	swait.ge [sflag:s20], $0x1200  }
0x1e1: {  	[sflag:s20] =	ssyncset.done $0x0  }
0x1e2: {  	s29 =	simm.s32 $0x7;
	[sflag:s20] =	ssyncadd.s32 $0xFFFFEE00  }
0x1e3: {  	_ =	swait.ge [sflag:s29], $0x1200  }
0x1e4: {  	[sflag:s29] =	ssyncset.done $0x0  }
0x1e5: {  	[sflag:s29] =	ssyncadd.s32 $0xFFFFEE00  }
0x1e6: {  	_ =	swait.ge [sflag:s29], $0x1200  }
0x1e7: {  	[sflag:s29] =	ssyncset.done $0x0  }
0x1e8: {  	[sflag:s29] =	ssyncadd.s32 $0xFFFFEE00  }
0x1e9: {  	_ =	swait.ge [sflag:s25], $0x1200  }
0x1ea: {  	[sflag:s25] =	ssyncset.done $0x0  }
0x1eb: {  	[sflag:s25] =	ssyncadd.s32 $0xFFFFEE00  }
0x1ec: {  	_ =	swait.ge [sflag:s25], $0x1200  }
0x1ed: {  	[sflag:s25] =	ssyncset.done $0x0  }
0x1ee: {  	[sflag:s25] =	ssyncadd.s32 $0xFFFFEE00  }
0x1ef: {  	_ =	swait.ge [sflag:s26], $0x1C0  }
0x1f0: {  	[sflag:s26] =	ssyncset.done $0x0  }
0x1f1: {  	[sflag:s26] =	ssyncadd.s32 $0xFFFFFE40  }
0x1f2: {  	_ =	swait.ge [sflag:s26], $0x1C0  }
0x1f3: {  	[sflag:s26] =	ssyncset.done $0x0  }
0x1f4: {  	[sflag:s26] =	ssyncadd.s32 $0xFFFFFE40  }
0x1f5: {  	_ =	swait.ge [sflag:s28], $0x1C0  }
0x1f6: {  	[sflag:s28] =	ssyncset.done $0x0  }
0x1f7: {  	[sflag:s28] =	ssyncadd.s32 $0xFFFFFE40  }
0x1f8: {  	_ =	swait.ge [sflag:s28], $0x1C0  }
0x1f9: {  	s30 =	rddreg [dreg:$0x14]  }
0x1fa: {  	s31 =	rddreg [dreg:$0x13];
	s1 =	sadd.s32 $0x1, s30  }
0x1fb: {  	p0 =	sne.s32 s1, s31  }
.Ltmp1:
0x1fc: {  	_ = 	snop;
	(pc) =	sbr.rel @p0 .LBB2_1-.Ltmp1, $3  }
0x1fd: {  	_ =	sdelay $0x1  }
0x1fe: {  	[sflag:s28] =	ssyncset.done $0x0  }
0x1ff: {  	[sflag:s28] =	ssyncadd.s32 $0xFFFFFE40  }
0x200: {  	_ =	sfence.sel $0x180000  }
0x201: {  	[bflag:$0x0] =	sbarrier.arrive $0xFFFF  }
0x202: {  	_ =	strace $0x90000047  }
0x203: {  	s0 =	stileid.u32;
	[bflag:$0x2] =	sbarrier.arrive $0xFFFF  }
0x204: {  	p0 =	sne.s32 s0, $0x0;
	s0 =	rddreg [dreg:$0x3]  }
0x205: {  	s0 =	sadd.s32 @!p0 $0x100000, s0  }
0x206: {  	[sflag:s0] =	ssyncadd.tile.s32 @!p0 $0x1;
	_ =	shalt  }
.Lfunc_end2:
_tile_overlayer_lowered:
.L_overlay_start_2:
0x207: {  	(tag) =	ssettag $0x2  }
0x208: {  	s0 =	rddreg [dreg:$0x0];
	s2 =	stileid.u32  }
0x209: {  	s1 =	rddreg [dreg:$0x1];
	p0 =	sne.s32 s2, $0x0  }
0x20a: {  	s3 =	rddreg [dreg:$0x2];
	[bflag:$0x3] =	sbarrier.arrive $0xFFFF;
	s2 =	simm.s32 @!p0 $0x1C09  }
0x20b: {  	[timem:s3], [sflag:s2] =	dma.local @!p0 [hbm:s0], s1  }
0x20c: {  	s0 =	simm.s32 @!p0 $0x9  }
0x20d: {  	_ =	swait.ge @!p0 [sflag:s0], s1  }
0x20e: {  	s1 =	ssub.s32 @!p0 $0x0, s1;
	[sflag:s0] =	ssyncset.done @!p0 $0x0  }
0x20f: {  	[sflag:s0] =	ssyncadd.s32 @!p0 s1  }
0x210: {  	[bflag:$0x3] =	sbarrier.arrive $0xFFFF  }
0x211: {  	_ =	shalt  }

</sc_bundles>
